<compile_context>
chip_gen: v7x
topology: tpu7x:2x2x1
jax: 0.10.2.dev20260603
libtpu: 0.0.44.dev20260713+nightly
codegen_flags: <defaults>
</compile_context>

<pallas_src>
import functools

import jax
import jax.numpy as jnp
from jax import lax
from jax.experimental import pallas as pl
from jax.experimental.pallas import tpu as pltpu
from jax.experimental.pallas import tpu_sc as plsc

NUM_WORKERS = 32
LANES = 16
CHUNK = 128
NBUF = 4


@functools.lru_cache(maxsize=None)
def _make_sc_embed(bl, d, l_seq):
    assert bl % (NUM_WORKERS * CHUNK) == 0
    per_w = bl // NUM_WORKERS
    n_chunks = per_w // CHUNK
    assert n_chunks % NBUF == 0 and n_chunks >= 2 * NBUF

    mesh = plsc.VectorSubcoreMesh(core_axis_name="c", subcore_axis_name="s")

    @functools.partial(
        pl.kernel,
        mesh=mesh,
        out_type=jax.ShapeDtypeStruct((bl, d), jnp.float32),
        scratch_types=[
            pltpu.VMEM((per_w,), jnp.int32),
            pltpu.VMEM((per_w,), jnp.int32),
            pltpu.VMEM_SHARED((2 * l_seq, d), jnp.float32),
        ]
        + [pltpu.VMEM((CHUNK, d), jnp.float32) for _ in range(NBUF)]
        + [pltpu.SemaphoreType.DMA for _ in range(3 * NBUF)],
    )
    def sc_embed(x_hbm, seg_hbm, tab_hbm, ext_hbm, out_hbm, xidx, eidx, ext_sh,
                 *bufs_and_sems):
        rows = bufs_and_sems[:NBUF]
        sem_t = bufs_and_sems[NBUF:2 * NBUF]
        sem_e = bufs_and_sems[2 * NBUF:3 * NBUF]
        sem_w = bufs_and_sems[3 * NBUF:4 * NBUF]

        wid = lax.axis_index("s") * 2 + lax.axis_index("c")
        wbase = wid * per_w
        lane = lax.iota(jnp.int32, LANES)

        @pl.when(lax.axis_index("s") == 0)
        def _():
            pltpu.sync_copy(ext_hbm, ext_sh)

        pltpu.sync_copy(x_hbm.at[pl.ds(wbase, per_w)], xidx)
        pltpu.sync_copy(seg_hbm.at[pl.ds(wbase, per_w)], eidx)

        def eidx_body(j, c):
            sl = pl.ds(j * LANES, LANES)
            pos = lax.rem(wbase + j * LANES + lane, jnp.int32(l_seq))
            eidx[sl] = eidx[sl] * jnp.int32(l_seq) + pos
            return c

        def issue_tok(g, p):
            pltpu.async_copy(tab_hbm.at[xidx.at[pl.ds(g * CHUNK, CHUNK)]],
                             rows[p], sem_t[p])

        def issue_ext(g, p):
            pltpu.async_copy(ext_sh.at[eidx.at[pl.ds(g * CHUNK, CHUNK)]],
                             rows[p], sem_e[p], add=True)

        def issue_wb(g, p):
            pltpu.async_copy(rows[p], out_hbm.at[pl.ds(wbase + g * CHUNK, CHUNK)],
                             sem_w[p])

        def wait_gather(sem, p):
            pltpu.make_async_copy(tab_hbm.at[pl.ds(0, CHUNK)], rows[p], sem).wait()

        def wait_ext(sem, p):
            pltpu.make_async_copy(tab_hbm.at[pl.ds(0, CHUNK)], rows[p], sem).wait()

        def wait_wb(p):
            pltpu.make_async_copy(rows[p], out_hbm.at[pl.ds(wbase, CHUNK)],
                                  sem_w[p]).wait()

        for g in range(NBUF):
            issue_tok(g, g)
        lax.fori_loop(0, per_w // LANES, eidx_body, 0)
        plsc.subcore_barrier()
        for g in range(1, NBUF):
            wait_gather(sem_t[g - 1], g - 1)
            issue_ext(g - 1, g - 1)
            if g >= 2:
                wait_ext(sem_e[g - 2], g - 2)
                issue_wb(g - 2, g - 2)

        def block(i, c):
            for p in range(NBUF):
                g = i * NBUF + p
                wait_wb(p)
                issue_tok(g, p)
                pm2 = (p - 2) % NBUF
                wait_ext(sem_e[pm2], pm2)
                issue_wb(g - 2, pm2)
                pm1 = (p - 1) % NBUF
                wait_gather(sem_t[pm1], pm1)
                issue_ext(g - 1, pm1)
            return c

        lax.fori_loop(1, n_chunks // NBUF, block, 0)

        n = n_chunks
        p_last, p_prev = (n - 1) % NBUF, (n - 2) % NBUF
        wait_gather(sem_t[p_last], p_last)
        issue_ext(n - 1, p_last)
        wait_ext(sem_e[p_prev], p_prev)
        issue_wb(n - 2, p_prev)
        wait_ext(sem_e[p_last], p_last)
        issue_wb(n - 1, p_last)
        for p in range(NBUF):
            wait_wb(p)

    return sc_embed


def kernel(x, segment_tokens, token_table, segment_table, pe):
    b, l = x.shape
    d = token_table.shape[1]
    ext = (segment_table[:, None, :] + pe[None, :l, :]).reshape(2 * l, d)
    x_flat = x.reshape(-1).astype(jnp.int32)
    seg_flat = segment_tokens.reshape(-1).astype(jnp.int32)
    out = _make_sc_embed(b * l, d, l)(x_flat, seg_flat, token_table, ext)
    return out.reshape(b, l, d)

# --- scband reference (transcript-rebuilt; emitter-appended) ---
"""Pipeline reference for scband-bertembedding-16097537426133 (READ-ONLY COPY).

The authoritative reference and input builder live on the scoring server;
editing this copy changes nothing except your own understanding.
"""

import jax, jax.numpy as jnp
import numpy as np

D_MODEL = 128
VOCAB = 1000000
MAX_SEQ = 512
B = 4096
L = 200


def _make_pe():
    # Faithful vectorization of the torch loop:
    # pe[pos, dim] = sin(pos // 10000 ** (2*dim // d_model)) if pos % 2 == 0
    #                else cos(pos // 10000 ** (2*dim // d_model))
    pos = jnp.arange(MAX_SEQ, dtype=jnp.int64 if jax.config.jax_enable_x64 else jnp.int32)[:, None]
    dim = jnp.arange(D_MODEL, dtype=pos.dtype)[None, :]
    exp = (2 * dim) // D_MODEL  # integer division, values in {0, 1}
    denom = jnp.power(jnp.asarray(10000, dtype=pos.dtype), exp)
    val = (pos // denom).astype(jnp.float32)  # integer floor-division
    pe = jnp.where(pos % 2 == 0, jnp.sin(val), jnp.cos(val)).astype(jnp.float32)
    return pe


def setup_inputs(seed: int = 0) -> dict:
    key = jax.random.key(seed)
    k1, k2, k3, k4 = jax.random.split(key, 4)
    x = jax.random.randint(k1, (B, L), 0, VOCAB, dtype=jnp.int32).astype(jnp.int64 if jax.config.jax_enable_x64 else jnp.int32)
    segment_tokens = jax.random.randint(k2, (B, L), 0, 2, dtype=jnp.int32)
    token_table = jax.random.normal(k3, (VOCAB, D_MODEL), dtype=jnp.float32)  # nn.Embedding default N(0,1)
    segment_table = jax.random.normal(k4, (2, D_MODEL), dtype=jnp.float32)
    pe = _make_pe()
    return {"x": x, "segment_tokens": segment_tokens, "token_table": token_table, "segment_table": segment_table, "pe": pe}


def reference(x, segment_tokens, token_table, segment_table, pe):
    token_embeddings = jnp.take(token_table, x, axis=0)          # gather [B, L, D]
    position_encoding = pe[: x.shape[1], :][None, :, :]          # [1, L, D]
    segment_embedding = jnp.take(segment_table, segment_tokens, axis=0)  # [B, L, D]
    # Dropout is identity in eval mode.
    return token_embeddings + position_encoding + segment_embedding

if __name__ == "__main__":
    import jax
    _d = setup_inputs()
    print(jax.jit(kernel)(*tuple(_d.values())))

</pallas_src>

<mosaic_0001>
#map = affine_map<(d0, d1) -> (0)>
#map1 = affine_map<(d0, d1) -> (0, 0)>
module attributes {stable_mosaic.version = 14 : i64} {
  func.func @sc_embed(%arg0: i32, %arg1: i32, %arg2: memref<819200xi32, #tpu.memory_space<hbm>>, %arg3: memref<819200xi32, #tpu.memory_space<hbm>>, %arg4: memref<1000000x128xf32, #tpu.memory_space<hbm>>, %arg5: memref<400x128xf32, #tpu.memory_space<hbm>>, %arg6: memref<819200x128xf32, #tpu.memory_space<hbm>>, %arg7: memref<25600xi32, #tpu.memory_space<vmem>>, %arg8: memref<25600xi32, #tpu.memory_space<vmem>>, %arg9: memref<400x128xf32, #tpu.memory_space<vmem_shared>>, %arg10: memref<128x128xf32, #tpu.memory_space<vmem>>, %arg11: memref<128x128xf32, #tpu.memory_space<vmem>>, %arg12: memref<128x128xf32, #tpu.memory_space<vmem>>, %arg13: memref<128x128xf32, #tpu.memory_space<vmem>>, %arg14: memref<!tpu.dma_semaphore, #tpu.memory_space<semaphore_mem>>, %arg15: memref<!tpu.dma_semaphore, #tpu.memory_space<semaphore_mem>>, %arg16: memref<!tpu.dma_semaphore, #tpu.memory_space<semaphore_mem>>, %arg17: memref<!tpu.dma_semaphore, #tpu.memory_space<semaphore_mem>>, %arg18: memref<!tpu.dma_semaphore, #tpu.memory_space<semaphore_mem>>, %arg19: memref<!tpu.dma_semaphore, #tpu.memory_space<semaphore_mem>>, %arg20: memref<!tpu.dma_semaphore, #tpu.memory_space<semaphore_mem>>, %arg21: memref<!tpu.dma_semaphore, #tpu.memory_space<semaphore_mem>>, %arg22: memref<!tpu.dma_semaphore, #tpu.memory_space<semaphore_mem>>, %arg23: memref<!tpu.dma_semaphore, #tpu.memory_space<semaphore_mem>>, %arg24: memref<!tpu.dma_semaphore, #tpu.memory_space<semaphore_mem>>, %arg25: memref<!tpu.dma_semaphore, #tpu.memory_space<semaphore_mem>>) attributes {dimension_semantics = [#tpu.dimension_semantics<core_parallel>, #tpu.dimension_semantics<subcore_parallel>], iteration_bounds = array<i64: 2, 16>, scalar_prefetch = 0 : i64, scratch_operands = 19 : i64, tpu.core_type = #tpu.core_type<sc_vector_subcore>, window_params = [{transform_indices = #map}, {transform_indices = #map}, {transform_indices = #map1}, {transform_indices = #map1}, {transform_indices = #map1}]} {
    %mul3A = arith.constant 2 : i32
    %mul3A_0 = arith.muli %arg1, %mul3A : i32
    %add3A = arith.addi %mul3A_0, %arg0 : i32
    %mul3A_1 = arith.constant 25600 : i32
    %mul3A_2 = arith.muli %add3A, %mul3A_1 : i32
    %iota3A = tpu.iota {dimensions = array<i32: 0>} : vector<16xi32>
    %eq3A = arith.constant 0 : i32
    %eq3A_3 = arith.cmpi eq, %arg1, %eq3A : i32
    %convert_element_type3A = arith.extui %eq3A_3 : i1 to i32
    %cond3A = arith.constant 0 : i32
    %cond3A_4 = arith.cmpi ne, %convert_element_type3A, %cond3A : i32
    scf.if %cond3A_4 {
      "tpu.region"() ({
        %run_scoped3A = tpu.sem_alloc : memref<!tpu.dma_semaphore, #tpu.memory_space<semaphore_mem>>
        tpu.enqueue_dma source(%arg5 : memref<400x128xf32, #tpu.memory_space<hbm>>) target(%arg9 : memref<400x128xf32, #tpu.memory_space<vmem_shared>>) target_semaphore(%run_scoped3A : memref<!tpu.dma_semaphore, #tpu.memory_space<semaphore_mem>>)
        tpu.wait_dma2 semaphore(%run_scoped3A : memref<!tpu.dma_semaphore, #tpu.memory_space<semaphore_mem>>) src(%arg5 : memref<400x128xf32, #tpu.memory_space<hbm>>) dst(%arg9 : memref<400x128xf32, #tpu.memory_space<vmem_shared>>)
        tpu.yield
      }) : () -> ()
    } else {
    }
    "tpu.region"() ({
      %run_scoped3A = tpu.sem_alloc : memref<!tpu.dma_semaphore, #tpu.memory_space<semaphore_mem>>
      %dma_start3A_142 = tpu.memref_slice %arg2[%mul3A_2] : memref<819200xi32, #tpu.memory_space<hbm>> -> memref<25600xi32, #tpu.memory_space<hbm>>
      %dma_start3A_143 = tpu.memref_slice %arg2[%mul3A_2] : memref<819200xi32, #tpu.memory_space<hbm>> -> memref<25600xi32, #tpu.memory_space<hbm>>
      tpu.enqueue_dma source(%dma_start3A_143 : memref<25600xi32, #tpu.memory_space<hbm>>) target(%arg7 : memref<25600xi32, #tpu.memory_space<vmem>>) target_semaphore(%run_scoped3A : memref<!tpu.dma_semaphore, #tpu.memory_space<semaphore_mem>>)
      %dma_wait3A_144 = tpu.memref_slice %arg2[%mul3A_2] : memref<819200xi32, #tpu.memory_space<hbm>> -> memref<25600xi32, #tpu.memory_space<hbm>>
      %dma_wait3A_145 = tpu.memref_slice %arg2[%mul3A_2] : memref<819200xi32, #tpu.memory_space<hbm>> -> memref<25600xi32, #tpu.memory_space<hbm>>
      tpu.wait_dma2 semaphore(%run_scoped3A : memref<!tpu.dma_semaphore, #tpu.memory_space<semaphore_mem>>) src(%dma_wait3A_145 : memref<25600xi32, #tpu.memory_space<hbm>>) dst(%arg7 : memref<25600xi32, #tpu.memory_space<vmem>>)
      tpu.yield
    }) : () -> ()
    "tpu.region"() ({
      %run_scoped3A = tpu.sem_alloc : memref<!tpu.dma_semaphore, #tpu.memory_space<semaphore_mem>>
      %dma_start3A_142 = tpu.memref_slice %arg3[%mul3A_2] : memref<819200xi32, #tpu.memory_space<hbm>> -> memref<25600xi32, #tpu.memory_space<hbm>>
      %dma_start3A_143 = tpu.memref_slice %arg3[%mul3A_2] : memref<819200xi32, #tpu.memory_space<hbm>> -> memref<25600xi32, #tpu.memory_space<hbm>>
      tpu.enqueue_dma source(%dma_start3A_143 : memref<25600xi32, #tpu.memory_space<hbm>>) target(%arg8 : memref<25600xi32, #tpu.memory_space<vmem>>) target_semaphore(%run_scoped3A : memref<!tpu.dma_semaphore, #tpu.memory_space<semaphore_mem>>)
      %dma_wait3A_144 = tpu.memref_slice %arg3[%mul3A_2] : memref<819200xi32, #tpu.memory_space<hbm>> -> memref<25600xi32, #tpu.memory_space<hbm>>
      %dma_wait3A_145 = tpu.memref_slice %arg3[%mul3A_2] : memref<819200xi32, #tpu.memory_space<hbm>> -> memref<25600xi32, #tpu.memory_space<hbm>>
      tpu.wait_dma2 semaphore(%run_scoped3A : memref<!tpu.dma_semaphore, #tpu.memory_space<semaphore_mem>>) src(%dma_wait3A_145 : memref<25600xi32, #tpu.memory_space<hbm>>) dst(%arg8 : memref<25600xi32, #tpu.memory_space<vmem>>)
      tpu.yield
    }) : () -> ()
    %dma_start3A = arith.constant 0 : i32
    %dma_start3A_5 = tpu.memref_slice %arg7[%dma_start3A] : memref<25600xi32, #tpu.memory_space<vmem>> -> memref<128xi32, #tpu.memory_space<vmem>>
    %dma_start3A_6 = arith.constant 0 : i32
    %dma_start3A_7 = arith.constant 0 : i32
    %dma_start3A_8 = tpu.memref_slice %arg4[%dma_start3A_6, %dma_start3A_7] : memref<1000000x128xf32, #tpu.memory_space<hbm>> -> memref<1000000x128xf32, #tpu.memory_space<hbm>>
    tpu.enqueue_indirect_dma source(%dma_start3A_8 : memref<1000000x128xf32, #tpu.memory_space<hbm>>) target(%arg10 : memref<128x128xf32, #tpu.memory_space<vmem>>) offsets(%dma_start3A_5 : memref<128xi32, #tpu.memory_space<vmem>>) semaphore(%arg14 : memref<!tpu.dma_semaphore, #tpu.memory_space<semaphore_mem>>)
    %dma_start3A_9 = arith.constant 128 : i32
    %dma_start3A_10 = tpu.memref_slice %arg7[%dma_start3A_9] : memref<25600xi32, #tpu.memory_space<vmem>> -> memref<128xi32, #tpu.memory_space<vmem>>
    %dma_start3A_11 = arith.constant 0 : i32
    %dma_start3A_12 = arith.constant 0 : i32
    %dma_start3A_13 = tpu.memref_slice %arg4[%dma_start3A_11, %dma_start3A_12] : memref<1000000x128xf32, #tpu.memory_space<hbm>> -> memref<1000000x128xf32, #tpu.memory_space<hbm>>
    tpu.enqueue_indirect_dma source(%dma_start3A_13 : memref<1000000x128xf32, #tpu.memory_space<hbm>>) target(%arg11 : memref<128x128xf32, #tpu.memory_space<vmem>>) offsets(%dma_start3A_10 : memref<128xi32, #tpu.memory_space<vmem>>) semaphore(%arg15 : memref<!tpu.dma_semaphore, #tpu.memory_space<semaphore_mem>>)
    %dma_start3A_14 = arith.constant 256 : i32
    %dma_start3A_15 = tpu.memref_slice %arg7[%dma_start3A_14] : memref<25600xi32, #tpu.memory_space<vmem>> -> memref<128xi32, #tpu.memory_space<vmem>>
    %dma_start3A_16 = arith.constant 0 : i32
    %dma_start3A_17 = arith.constant 0 : i32
    %dma_start3A_18 = tpu.memref_slice %arg4[%dma_start3A_16, %dma_start3A_17] : memref<1000000x128xf32, #tpu.memory_space<hbm>> -> memref<1000000x128xf32, #tpu.memory_space<hbm>>
    tpu.enqueue_indirect_dma source(%dma_start3A_18 : memref<1000000x128xf32, #tpu.memory_space<hbm>>) target(%arg12 : memref<128x128xf32, #tpu.memory_space<vmem>>) offsets(%dma_start3A_15 : memref<128xi32, #tpu.memory_space<vmem>>) semaphore(%arg16 : memref<!tpu.dma_semaphore, #tpu.memory_space<semaphore_mem>>)
    %dma_start3A_19 = arith.constant 384 : i32
    %dma_start3A_20 = tpu.memref_slice %arg7[%dma_start3A_19] : memref<25600xi32, #tpu.memory_space<vmem>> -> memref<128xi32, #tpu.memory_space<vmem>>
    %dma_start3A_21 = arith.constant 0 : i32
    %dma_start3A_22 = arith.constant 0 : i32
    %dma_start3A_23 = tpu.memref_slice %arg4[%dma_start3A_21, %dma_start3A_22] : memref<1000000x128xf32, #tpu.memory_space<hbm>> -> memref<1000000x128xf32, #tpu.memory_space<hbm>>
    tpu.enqueue_indirect_dma source(%dma_start3A_23 : memref<1000000x128xf32, #tpu.memory_space<hbm>>) target(%arg13 : memref<128x128xf32, #tpu.memory_space<vmem>>) offsets(%dma_start3A_20 : memref<128xi32, #tpu.memory_space<vmem>>) semaphore(%arg17 : memref<!tpu.dma_semaphore, #tpu.memory_space<semaphore_mem>>)
    %scan3A = arith.constant 0 : i32
    %scan3A_24 = arith.constant 0 : i32
    %scan3A_25 = arith.constant 1600 : i32
    %scan3A_26 = arith.addi %scan3A_24, %scan3A_25 : i32
    %scan3A_27 = arith.constant 1 : i32
    scf.for %scan3A_142 = %scan3A_24 to %scan3A_26 step %scan3A_27  : i32 {
      %mul3A_143 = arith.constant 16 : i32
      %mul3A_144 = arith.muli %scan3A_142, %mul3A_143 : i32
      %mul3A_145 = arith.constant 16 : i32
      %mul3A_146 = arith.muli %scan3A_142, %mul3A_145 : i32
      %add3A_147 = arith.addi %mul3A_2, %mul3A_146 : i32
      %add3A_148 = vector.broadcast %add3A_147 : i32 to vector<16xi32>
      %add3A_149 = arith.addi %add3A_148, %iota3A : vector<16xi32>
      %rem3A = arith.constant 200 : i32
      %rem3A_150 = vector.broadcast %rem3A : i32 to vector<16xi32>
      %rem3A_151 = arith.remsi %add3A_149, %rem3A_150 : vector<16xi32>
      %get3A = arith.index_cast %mul3A_144 : i32 to index
      %get3A_152 = tpu.vector_load %arg8[%get3A] {strides = array<i32>} : memref<25600xi32, #tpu.memory_space<vmem>>, vector<16xi32>,
      %get3A_153 = vector.shape_cast %get3A_152 : vector<16xi32> to vector<16xi32>
      %mul3A_154 = arith.constant 200 : i32
      %mul3A_155 = vector.broadcast %mul3A_154 : i32 to vector<16xi32>
      %mul3A_156 = arith.muli %get3A_153, %mul3A_155 : vector<16xi32>
      %add3A_157 = arith.addi %mul3A_156, %rem3A_151 : vector<16xi32>
      %swap3A = arith.index_cast %mul3A_144 : i32 to index
      %swap3A_158 = tpu.vector_load %arg8[%swap3A] {strides = array<i32>} : memref<25600xi32, #tpu.memory_space<vmem>>, vector<16xi32>,
      %swap3A_159 = vector.shape_cast %swap3A_158 : vector<16xi32> to vector<16xi32>
      %swap3A_160 = vector.shape_cast %add3A_157 : vector<16xi32> to vector<16xi32>
      tpu.vector_store %arg8[%swap3A], %swap3A_160 {strides = array<i32>} : memref<25600xi32, #tpu.memory_space<vmem>>, vector<16xi32>,
    }
    %scan3A_28 = arith.constant 1600 : i32
    %barrier3A = arith.constant 0 : index
    tpu.barrier barrier_id(%barrier3A)
    %dma_wait3A = arith.constant 0 : i32
    %dma_wait3A_29 = arith.constant 0 : i32
    %dma_wait3A_30 = tpu.memref_slice %arg4[%dma_wait3A, %dma_wait3A_29] : memref<1000000x128xf32, #tpu.memory_space<hbm>> -> memref<128x128xf32, #tpu.memory_space<hbm>>
    %dma_wait3A_31 = arith.constant 0 : i32
    %dma_wait3A_32 = arith.constant 0 : i32
    %dma_wait3A_33 = tpu.memref_slice %arg4[%dma_wait3A_31, %dma_wait3A_32] : memref<1000000x128xf32, #tpu.memory_space<hbm>> -> memref<128x128xf32, #tpu.memory_space<hbm>>
    tpu.wait_dma2 semaphore(%arg14 : memref<!tpu.dma_semaphore, #tpu.memory_space<semaphore_mem>>) src(%dma_wait3A_33 : memref<128x128xf32, #tpu.memory_space<hbm>>) dst(%arg10 : memref<128x128xf32, #tpu.memory_space<vmem>>)
    %dma_start3A_34 = arith.constant 0 : i32
    %dma_start3A_35 = tpu.memref_slice %arg8[%dma_start3A_34] : memref<25600xi32, #tpu.memory_space<vmem>> -> memref<128xi32, #tpu.memory_space<vmem>>
    %dma_start3A_36 = arith.constant 0 : i32
    %dma_start3A_37 = arith.constant 0 : i32
    %dma_start3A_38 = tpu.memref_slice %arg9[%dma_start3A_36, %dma_start3A_37] : memref<400x128xf32, #tpu.memory_space<vmem_shared>> -> memref<400x128xf32, #tpu.memory_space<vmem_shared>>
    tpu.enqueue_indirect_dma source(%dma_start3A_38 : memref<400x128xf32, #tpu.memory_space<vmem_shared>>) target(%arg10 : memref<128x128xf32, #tpu.memory_space<vmem>>) offsets(%dma_start3A_35 : memref<128xi32, #tpu.memory_space<vmem>>) semaphore(%arg18 : memref<!tpu.dma_semaphore, #tpu.memory_space<semaphore_mem>>) {add = true}
    %dma_wait3A_39 = arith.constant 0 : i32
    %dma_wait3A_40 = arith.constant 0 : i32
    %dma_wait3A_41 = tpu.memref_slice %arg4[%dma_wait3A_39, %dma_wait3A_40] : memref<1000000x128xf32, #tpu.memory_space<hbm>> -> memref<128x128xf32, #tpu.memory_space<hbm>>
    %dma_wait3A_42 = arith.constant 0 : i32
    %dma_wait3A_43 = arith.constant 0 : i32
    %dma_wait3A_44 = tpu.memref_slice %arg4[%dma_wait3A_42, %dma_wait3A_43] : memref<1000000x128xf32, #tpu.memory_space<hbm>> -> memref<128x128xf32, #tpu.memory_space<hbm>>
    tpu.wait_dma2 semaphore(%arg15 : memref<!tpu.dma_semaphore, #tpu.memory_space<semaphore_mem>>) src(%dma_wait3A_44 : memref<128x128xf32, #tpu.memory_space<hbm>>) dst(%arg11 : memref<128x128xf32, #tpu.memory_space<vmem>>)
    %dma_start3A_45 = arith.constant 128 : i32
    %dma_start3A_46 = tpu.memref_slice %arg8[%dma_start3A_45] : memref<25600xi32, #tpu.memory_space<vmem>> -> memref<128xi32, #tpu.memory_space<vmem>>
    %dma_start3A_47 = arith.constant 0 : i32
    %dma_start3A_48 = arith.constant 0 : i32
    %dma_start3A_49 = tpu.memref_slice %arg9[%dma_start3A_47, %dma_start3A_48] : memref<400x128xf32, #tpu.memory_space<vmem_shared>> -> memref<400x128xf32, #tpu.memory_space<vmem_shared>>
    tpu.enqueue_indirect_dma source(%dma_start3A_49 : memref<400x128xf32, #tpu.memory_space<vmem_shared>>) target(%arg11 : memref<128x128xf32, #tpu.memory_space<vmem>>) offsets(%dma_start3A_46 : memref<128xi32, #tpu.memory_space<vmem>>) semaphore(%arg19 : memref<!tpu.dma_semaphore, #tpu.memory_space<semaphore_mem>>) {add = true}
    %dma_wait3A_50 = arith.constant 0 : i32
    %dma_wait3A_51 = arith.constant 0 : i32
    %dma_wait3A_52 = tpu.memref_slice %arg4[%dma_wait3A_50, %dma_wait3A_51] : memref<1000000x128xf32, #tpu.memory_space<hbm>> -> memref<128x128xf32, #tpu.memory_space<hbm>>
    %dma_wait3A_53 = arith.constant 0 : i32
    %dma_wait3A_54 = arith.constant 0 : i32
    %dma_wait3A_55 = tpu.memref_slice %arg4[%dma_wait3A_53, %dma_wait3A_54] : memref<1000000x128xf32, #tpu.memory_space<hbm>> -> memref<128x128xf32, #tpu.memory_space<hbm>>
    tpu.wait_dma2 semaphore(%arg18 : memref<!tpu.dma_semaphore, #tpu.memory_space<semaphore_mem>>) src(%dma_wait3A_55 : memref<128x128xf32, #tpu.memory_space<hbm>>) dst(%arg10 : memref<128x128xf32, #tpu.memory_space<vmem>>)
    %add3A_56 = arith.constant 0 : i32
    %add3A_57 = arith.addi %mul3A_2, %add3A_56 : i32
    %dma_start3A_58 = arith.constant 0 : i32
    %dma_start3A_59 = tpu.memref_slice %arg6[%add3A_57, %dma_start3A_58] : memref<819200x128xf32, #tpu.memory_space<hbm>> -> memref<128x128xf32, #tpu.memory_space<hbm>>
    %dma_start3A_60 = arith.constant 0 : i32
    %dma_start3A_61 = tpu.memref_slice %arg6[%add3A_57, %dma_start3A_60] : memref<819200x128xf32, #tpu.memory_space<hbm>> -> memref<128x128xf32, #tpu.memory_space<hbm>>
    tpu.enqueue_dma source(%arg10 : memref<128x128xf32, #tpu.memory_space<vmem>>) target(%dma_start3A_61 : memref<128x128xf32, #tpu.memory_space<hbm>>) target_semaphore(%arg22 : memref<!tpu.dma_semaphore, #tpu.memory_space<semaphore_mem>>)
    %dma_wait3A_62 = arith.constant 0 : i32
    %dma_wait3A_63 = arith.constant 0 : i32
    %dma_wait3A_64 = tpu.memref_slice %arg4[%dma_wait3A_62, %dma_wait3A_63] : memref<1000000x128xf32, #tpu.memory_space<hbm>> -> memref<128x128xf32, #tpu.memory_space<hbm>>
    %dma_wait3A_65 = arith.constant 0 : i32
    %dma_wait3A_66 = arith.constant 0 : i32
    %dma_wait3A_67 = tpu.memref_slice %arg4[%dma_wait3A_65, %dma_wait3A_66] : memref<1000000x128xf32, #tpu.memory_space<hbm>> -> memref<128x128xf32, #tpu.memory_space<hbm>>
    tpu.wait_dma2 semaphore(%arg16 : memref<!tpu.dma_semaphore, #tpu.memory_space<semaphore_mem>>) src(%dma_wait3A_67 : memref<128x128xf32, #tpu.memory_space<hbm>>) dst(%arg12 : memref<128x128xf32, #tpu.memory_space<vmem>>)
    %dma_start3A_68 = arith.constant 256 : i32
    %dma_start3A_69 = tpu.memref_slice %arg8[%dma_start3A_68] : memref<25600xi32, #tpu.memory_space<vmem>> -> memref<128xi32, #tpu.memory_space<vmem>>
    %dma_start3A_70 = arith.constant 0 : i32
    %dma_start3A_71 = arith.constant 0 : i32
    %dma_start3A_72 = tpu.memref_slice %arg9[%dma_start3A_70, %dma_start3A_71] : memref<400x128xf32, #tpu.memory_space<vmem_shared>> -> memref<400x128xf32, #tpu.memory_space<vmem_shared>>
    tpu.enqueue_indirect_dma source(%dma_start3A_72 : memref<400x128xf32, #tpu.memory_space<vmem_shared>>) target(%arg12 : memref<128x128xf32, #tpu.memory_space<vmem>>) offsets(%dma_start3A_69 : memref<128xi32, #tpu.memory_space<vmem>>) semaphore(%arg20 : memref<!tpu.dma_semaphore, #tpu.memory_space<semaphore_mem>>) {add = true}
    %dma_wait3A_73 = arith.constant 0 : i32
    %dma_wait3A_74 = arith.constant 0 : i32
    %dma_wait3A_75 = tpu.memref_slice %arg4[%dma_wait3A_73, %dma_wait3A_74] : memref<1000000x128xf32, #tpu.memory_space<hbm>> -> memref<128x128xf32, #tpu.memory_space<hbm>>
    %dma_wait3A_76 = arith.constant 0 : i32
    %dma_wait3A_77 = arith.constant 0 : i32
    %dma_wait3A_78 = tpu.memref_slice %arg4[%dma_wait3A_76, %dma_wait3A_77] : memref<1000000x128xf32, #tpu.memory_space<hbm>> -> memref<128x128xf32, #tpu.memory_space<hbm>>
    tpu.wait_dma2 semaphore(%arg19 : memref<!tpu.dma_semaphore, #tpu.memory_space<semaphore_mem>>) src(%dma_wait3A_78 : memref<128x128xf32, #tpu.memory_space<hbm>>) dst(%arg11 : memref<128x128xf32, #tpu.memory_space<vmem>>)
    %add3A_79 = arith.constant 128 : i32
    %add3A_80 = arith.addi %mul3A_2, %add3A_79 : i32
    %dma_start3A_81 = arith.constant 0 : i32
    %dma_start3A_82 = tpu.memref_slice %arg6[%add3A_80, %dma_start3A_81] : memref<819200x128xf32, #tpu.memory_space<hbm>> -> memref<128x128xf32, #tpu.memory_space<hbm>>
    %dma_start3A_83 = arith.constant 0 : i32
    %dma_start3A_84 = tpu.memref_slice %arg6[%add3A_80, %dma_start3A_83] : memref<819200x128xf32, #tpu.memory_space<hbm>> -> memref<128x128xf32, #tpu.memory_space<hbm>>
    tpu.enqueue_dma source(%arg11 : memref<128x128xf32, #tpu.memory_space<vmem>>) target(%dma_start3A_84 : memref<128x128xf32, #tpu.memory_space<hbm>>) target_semaphore(%arg23 : memref<!tpu.dma_semaphore, #tpu.memory_space<semaphore_mem>>)
    %scan3A_85 = arith.constant 0 : i32
    %scan3A_86 = arith.constant 1 : i32
    %scan3A_87 = arith.constant 49 : i32
    %scan3A_88 = arith.addi %scan3A_86, %scan3A_87 : i32
    %scan3A_89 = arith.constant 1 : i32
    scf.for %scan3A_142 = %scan3A_86 to %scan3A_88 step %scan3A_89  : i32 {
      %mul3A_143 = arith.constant 4 : i32
      %mul3A_144 = arith.muli %scan3A_142, %mul3A_143 : i32
      %add3A_145 = arith.constant 0 : i32
      %add3A_146 = arith.addi %mul3A_144, %add3A_145 : i32
      %dma_wait3A_147 = arith.constant 0 : i32
      %dma_wait3A_148 = tpu.memref_slice %arg6[%mul3A_2, %dma_wait3A_147] : memref<819200x128xf32, #tpu.memory_space<hbm>> -> memref<128x128xf32, #tpu.memory_space<hbm>>
      %dma_wait3A_149 = arith.constant 0 : i32
      %dma_wait3A_150 = tpu.memref_slice %arg6[%mul3A_2, %dma_wait3A_149] : memref<819200x128xf32, #tpu.memory_space<hbm>> -> memref<128x128xf32, #tpu.memory_space<hbm>>
      tpu.wait_dma2 semaphore(%arg22 : memref<!tpu.dma_semaphore, #tpu.memory_space<semaphore_mem>>) src(%arg10 : memref<128x128xf32, #tpu.memory_space<vmem>>) dst(%dma_wait3A_150 : memref<128x128xf32, #tpu.memory_space<hbm>>)
      %mul3A_151 = arith.constant 128 : i32
      %mul3A_152 = arith.muli %add3A_146, %mul3A_151 : i32
      %dma_start3A_153 = tpu.memref_slice %arg7[%mul3A_152] : memref<25600xi32, #tpu.memory_space<vmem>> -> memref<128xi32, #tpu.memory_space<vmem>>
      %dma_start3A_154 = arith.constant 0 : i32
      %dma_start3A_155 = arith.constant 0 : i32
      %dma_start3A_156 = tpu.memref_slice %arg4[%dma_start3A_154, %dma_start3A_155] : memref<1000000x128xf32, #tpu.memory_space<hbm>> -> memref<1000000x128xf32, #tpu.memory_space<hbm>>
      tpu.enqueue_indirect_dma source(%dma_start3A_156 : memref<1000000x128xf32, #tpu.memory_space<hbm>>) target(%arg10 : memref<128x128xf32, #tpu.memory_space<vmem>>) offsets(%dma_start3A_153 : memref<128xi32, #tpu.memory_space<vmem>>) semaphore(%arg14 : memref<!tpu.dma_semaphore, #tpu.memory_space<semaphore_mem>>)
      %dma_wait3A_157 = arith.constant 0 : i32
      %dma_wait3A_158 = arith.constant 0 : i32
      %dma_wait3A_159 = tpu.memref_slice %arg4[%dma_wait3A_157, %dma_wait3A_158] : memref<1000000x128xf32, #tpu.memory_space<hbm>> -> memref<128x128xf32, #tpu.memory_space<hbm>>
      %dma_wait3A_160 = arith.constant 0 : i32
      %dma_wait3A_161 = arith.constant 0 : i32
      %dma_wait3A_162 = tpu.memref_slice %arg4[%dma_wait3A_160, %dma_wait3A_161] : memref<1000000x128xf32, #tpu.memory_space<hbm>> -> memref<128x128xf32, #tpu.memory_space<hbm>>
      tpu.wait_dma2 semaphore(%arg20 : memref<!tpu.dma_semaphore, #tpu.memory_space<semaphore_mem>>) src(%dma_wait3A_162 : memref<128x128xf32, #tpu.memory_space<hbm>>) dst(%arg12 : memref<128x128xf32, #tpu.memory_space<vmem>>)
      %sub3A = arith.constant 2 : i32
      %sub3A_163 = arith.subi %add3A_146, %sub3A : i32
      %mul3A_164 = arith.constant 128 : i32
      %mul3A_165 = arith.muli %sub3A_163, %mul3A_164 : i32
      %add3A_166 = arith.addi %mul3A_2, %mul3A_165 : i32
      %dma_start3A_167 = arith.constant 0 : i32
      %dma_start3A_168 = tpu.memref_slice %arg6[%add3A_166, %dma_start3A_167] : memref<819200x128xf32, #tpu.memory_space<hbm>> -> memref<128x128xf32, #tpu.memory_space<hbm>>
      %dma_start3A_169 = arith.constant 0 : i32
      %dma_start3A_170 = tpu.memref_slice %arg6[%add3A_166, %dma_start3A_169] : memref<819200x128xf32, #tpu.memory_space<hbm>> -> memref<128x128xf32, #tpu.memory_space<hbm>>
      tpu.enqueue_dma source(%arg12 : memref<128x128xf32, #tpu.memory_space<vmem>>) target(%dma_start3A_170 : memref<128x128xf32, #tpu.memory_space<hbm>>) target_semaphore(%arg24 : memref<!tpu.dma_semaphore, #tpu.memory_space<semaphore_mem>>)
      %dma_wait3A_171 = arith.constant 0 : i32
      %dma_wait3A_172 = arith.constant 0 : i32
      %dma_wait3A_173 = tpu.memref_slice %arg4[%dma_wait3A_171, %dma_wait3A_172] : memref<1000000x128xf32, #tpu.memory_space<hbm>> -> memref<128x128xf32, #tpu.memory_space<hbm>>
      %dma_wait3A_174 = arith.constant 0 : i32
      %dma_wait3A_175 = arith.constant 0 : i32
      %dma_wait3A_176 = tpu.memref_slice %arg4[%dma_wait3A_174, %dma_wait3A_175] : memref<1000000x128xf32, #tpu.memory_space<hbm>> -> memref<128x128xf32, #tpu.memory_space<hbm>>
      tpu.wait_dma2 semaphore(%arg17 : memref<!tpu.dma_semaphore, #tpu.memory_space<semaphore_mem>>) src(%dma_wait3A_176 : memref<128x128xf32, #tpu.memory_space<hbm>>) dst(%arg13 : memref<128x128xf32, #tpu.memory_space<vmem>>)
      %sub3A_177 = arith.constant 1 : i32
      %sub3A_178 = arith.subi %add3A_146, %sub3A_177 : i32
      %mul3A_179 = arith.constant 128 : i32
      %mul3A_180 = arith.muli %sub3A_178, %mul3A_179 : i32
      %dma_start3A_181 = tpu.memref_slice %arg8[%mul3A_180] : memref<25600xi32, #tpu.memory_space<vmem>> -> memref<128xi32, #tpu.memory_space<vmem>>
      %dma_start3A_182 = arith.constant 0 : i32
      %dma_start3A_183 = arith.constant 0 : i32
      %dma_start3A_184 = tpu.memref_slice %arg9[%dma_start3A_182, %dma_start3A_183] : memref<400x128xf32, #tpu.memory_space<vmem_shared>> -> memref<400x128xf32, #tpu.memory_space<vmem_shared>>
      tpu.enqueue_indirect_dma source(%dma_start3A_184 : memref<400x128xf32, #tpu.memory_space<vmem_shared>>) target(%arg13 : memref<128x128xf32, #tpu.memory_space<vmem>>) offsets(%dma_start3A_181 : memref<128xi32, #tpu.memory_space<vmem>>) semaphore(%arg21 : memref<!tpu.dma_semaphore, #tpu.memory_space<semaphore_mem>>) {add = true}
      %mul3A_185 = arith.constant 4 : i32
      %mul3A_186 = arith.muli %scan3A_142, %mul3A_185 : i32
      %add3A_187 = arith.constant 1 : i32
      %add3A_188 = arith.addi %mul3A_186, %add3A_187 : i32
      %dma_wait3A_189 = arith.constant 0 : i32
      %dma_wait3A_190 = tpu.memref_slice %arg6[%mul3A_2, %dma_wait3A_189] : memref<819200x128xf32, #tpu.memory_space<hbm>> -> memref<128x128xf32, #tpu.memory_space<hbm>>
      %dma_wait3A_191 = arith.constant 0 : i32
      %dma_wait3A_192 = tpu.memref_slice %arg6[%mul3A_2, %dma_wait3A_191] : memref<819200x128xf32, #tpu.memory_space<hbm>> -> memref<128x128xf32, #tpu.memory_space<hbm>>
      tpu.wait_dma2 semaphore(%arg23 : memref<!tpu.dma_semaphore, #tpu.memory_space<semaphore_mem>>) src(%arg11 : memref<128x128xf32, #tpu.memory_space<vmem>>) dst(%dma_wait3A_192 : memref<128x128xf32, #tpu.memory_space<hbm>>)
      %mul3A_193 = arith.constant 128 : i32
      %mul3A_194 = arith.muli %add3A_188, %mul3A_193 : i32
      %dma_start3A_195 = tpu.memref_slice %arg7[%mul3A_194] : memref<25600xi32, #tpu.memory_space<vmem>> -> memref<128xi32, #tpu.memory_space<vmem>>
      %dma_start3A_196 = arith.constant 0 : i32
      %dma_start3A_197 = arith.constant 0 : i32
      %dma_start3A_198 = tpu.memref_slice %arg4[%dma_start3A_196, %dma_start3A_197] : memref<1000000x128xf32, #tpu.memory_space<hbm>> -> memref<1000000x128xf32, #tpu.memory_space<hbm>>
      tpu.enqueue_indirect_dma source(%dma_start3A_198 : memref<1000000x128xf32, #tpu.memory_space<hbm>>) target(%arg11 : memref<128x128xf32, #tpu.memory_space<vmem>>) offsets(%dma_start3A_195 : memref<128xi32, #tpu.memory_space<vmem>>) semaphore(%arg15 : memref<!tpu.dma_semaphore, #tpu.memory_space<semaphore_mem>>)
      %dma_wait3A_199 = arith.constant 0 : i32
      %dma_wait3A_200 = arith.constant 0 : i32
      %dma_wait3A_201 = tpu.memref_slice %arg4[%dma_wait3A_199, %dma_wait3A_200] : memref<1000000x128xf32, #tpu.memory_space<hbm>> -> memref<128x128xf32, #tpu.memory_space<hbm>>
      %dma_wait3A_202 = arith.constant 0 : i32
      %dma_wait3A_203 = arith.constant 0 : i32
      %dma_wait3A_204 = tpu.memref_slice %arg4[%dma_wait3A_202, %dma_wait3A_203] : memref<1000000x128xf32, #tpu.memory_space<hbm>> -> memref<128x128xf32, #tpu.memory_space<hbm>>
      tpu.wait_dma2 semaphore(%arg21 : memref<!tpu.dma_semaphore, #tpu.memory_space<semaphore_mem>>) src(%dma_wait3A_204 : memref<128x128xf32, #tpu.memory_space<hbm>>) dst(%arg13 : memref<128x128xf32, #tpu.memory_space<vmem>>)
      %sub3A_205 = arith.constant 2 : i32
      %sub3A_206 = arith.subi %add3A_188, %sub3A_205 : i32
      %mul3A_207 = arith.constant 128 : i32
      %mul3A_208 = arith.muli %sub3A_206, %mul3A_207 : i32
      %add3A_209 = arith.addi %mul3A_2, %mul3A_208 : i32
      %dma_start3A_210 = arith.constant 0 : i32
      %dma_start3A_211 = tpu.memref_slice %arg6[%add3A_209, %dma_start3A_210] : memref<819200x128xf32, #tpu.memory_space<hbm>> -> memref<128x128xf32, #tpu.memory_space<hbm>>
      %dma_start3A_212 = arith.constant 0 : i32
      %dma_start3A_213 = tpu.memref_slice %arg6[%add3A_209, %dma_start3A_212] : memref<819200x128xf32, #tpu.memory_space<hbm>> -> memref<128x128xf32, #tpu.memory_space<hbm>>
      tpu.enqueue_dma source(%arg13 : memref<128x128xf32, #tpu.memory_space<vmem>>) target(%dma_start3A_213 : memref<128x128xf32, #tpu.memory_space<hbm>>) target_semaphore(%arg25 : memref<!tpu.dma_semaphore, #tpu.memory_space<semaphore_mem>>)
      %dma_wait3A_214 = arith.constant 0 : i32
      %dma_wait3A_215 = arith.constant 0 : i32
      %dma_wait3A_216 = tpu.memref_slice %arg4[%dma_wait3A_214, %dma_wait3A_215] : memref<1000000x128xf32, #tpu.memory_space<hbm>> -> memref<128x128xf32, #tpu.memory_space<hbm>>
      %dma_wait3A_217 = arith.constant 0 : i32
      %dma_wait3A_218 = arith.constant 0 : i32
      %dma_wait3A_219 = tpu.memref_slice %arg4[%dma_wait3A_217, %dma_wait3A_218] : memref<1000000x128xf32, #tpu.memory_space<hbm>> -> memref<128x128xf32, #tpu.memory_space<hbm>>
      tpu.wait_dma2 semaphore(%arg14 : memref<!tpu.dma_semaphore, #tpu.memory_space<semaphore_mem>>) src(%dma_wait3A_219 : memref<128x128xf32, #tpu.memory_space<hbm>>) dst(%arg10 : memref<128x128xf32, #tpu.memory_space<vmem>>)
      %sub3A_220 = arith.constant 1 : i32
      %sub3A_221 = arith.subi %add3A_188, %sub3A_220 : i32
      %mul3A_222 = arith.constant 128 : i32
      %mul3A_223 = arith.muli %sub3A_221, %mul3A_222 : i32
      %dma_start3A_224 = tpu.memref_slice %arg8[%mul3A_223] : memref<25600xi32, #tpu.memory_space<vmem>> -> memref<128xi32, #tpu.memory_space<vmem>>
      %dma_start3A_225 = arith.constant 0 : i32
      %dma_start3A_226 = arith.constant 0 : i32
      %dma_start3A_227 = tpu.memref_slice %arg9[%dma_start3A_225, %dma_start3A_226] : memref<400x128xf32, #tpu.memory_space<vmem_shared>> -> memref<400x128xf32, #tpu.memory_space<vmem_shared>>
      tpu.enqueue_indirect_dma source(%dma_start3A_227 : memref<400x128xf32, #tpu.memory_space<vmem_shared>>) target(%arg10 : memref<128x128xf32, #tpu.memory_space<vmem>>) offsets(%dma_start3A_224 : memref<128xi32, #tpu.memory_space<vmem>>) semaphore(%arg18 : memref<!tpu.dma_semaphore, #tpu.memory_space<semaphore_mem>>) {add = true}
      %mul3A_228 = arith.constant 4 : i32
      %mul3A_229 = arith.muli %scan3A_142, %mul3A_228 : i32
      %add3A_230 = arith.constant 2 : i32
      %add3A_231 = arith.addi %mul3A_229, %add3A_230 : i32
      %dma_wait3A_232 = arith.constant 0 : i32
      %dma_wait3A_233 = tpu.memref_slice %arg6[%mul3A_2, %dma_wait3A_232] : memref<819200x128xf32, #tpu.memory_space<hbm>> -> memref<128x128xf32, #tpu.memory_space<hbm>>
      %dma_wait3A_234 = arith.constant 0 : i32
      %dma_wait3A_235 = tpu.memref_slice %arg6[%mul3A_2, %dma_wait3A_234] : memref<819200x128xf32, #tpu.memory_space<hbm>> -> memref<128x128xf32, #tpu.memory_space<hbm>>
      tpu.wait_dma2 semaphore(%arg24 : memref<!tpu.dma_semaphore, #tpu.memory_space<semaphore_mem>>) src(%arg12 : memref<128x128xf32, #tpu.memory_space<vmem>>) dst(%dma_wait3A_235 : memref<128x128xf32, #tpu.memory_space<hbm>>)
      %mul3A_236 = arith.constant 128 : i32
      %mul3A_237 = arith.muli %add3A_231, %mul3A_236 : i32
      %dma_start3A_238 = tpu.memref_slice %arg7[%mul3A_237] : memref<25600xi32, #tpu.memory_space<vmem>> -> memref<128xi32, #tpu.memory_space<vmem>>
      %dma_start3A_239 = arith.constant 0 : i32
      %dma_start3A_240 = arith.constant 0 : i32
      %dma_start3A_241 = tpu.memref_slice %arg4[%dma_start3A_239, %dma_start3A_240] : memref<1000000x128xf32, #tpu.memory_space<hbm>> -> memref<1000000x128xf32, #tpu.memory_space<hbm>>
      tpu.enqueue_indirect_dma source(%dma_start3A_241 : memref<1000000x128xf32, #tpu.memory_space<hbm>>) target(%arg12 : memref<128x128xf32, #tpu.memory_space<vmem>>) offsets(%dma_start3A_238 : memref<128xi32, #tpu.memory_space<vmem>>) semaphore(%arg16 : memref<!tpu.dma_semaphore, #tpu.memory_space<semaphore_mem>>)
      %dma_wait3A_242 = arith.constant 0 : i32
      %dma_wait3A_243 = arith.constant 0 : i32
      %dma_wait3A_244 = tpu.memref_slice %arg4[%dma_wait3A_242, %dma_wait3A_243] : memref<1000000x128xf32, #tpu.memory_space<hbm>> -> memref<128x128xf32, #tpu.memory_space<hbm>>
      %dma_wait3A_245 = arith.constant 0 : i32
      %dma_wait3A_246 = arith.constant 0 : i32
      %dma_wait3A_247 = tpu.memref_slice %arg4[%dma_wait3A_245, %dma_wait3A_246] : memref<1000000x128xf32, #tpu.memory_space<hbm>> -> memref<128x128xf32, #tpu.memory_space<hbm>>
      tpu.wait_dma2 semaphore(%arg18 : memref<!tpu.dma_semaphore, #tpu.memory_space<semaphore_mem>>) src(%dma_wait3A_247 : memref<128x128xf32, #tpu.memory_space<hbm>>) dst(%arg10 : memref<128x128xf32, #tpu.memory_space<vmem>>)
      %sub3A_248 = arith.constant 2 : i32
      %sub3A_249 = arith.subi %add3A_231, %sub3A_248 : i32
      %mul3A_250 = arith.constant 128 : i32
      %mul3A_251 = arith.muli %sub3A_249, %mul3A_250 : i32
      %add3A_252 = arith.addi %mul3A_2, %mul3A_251 : i32
      %dma_start3A_253 = arith.constant 0 : i32
      %dma_start3A_254 = tpu.memref_slice %arg6[%add3A_252, %dma_start3A_253] : memref<819200x128xf32, #tpu.memory_space<hbm>> -> memref<128x128xf32, #tpu.memory_space<hbm>>
      %dma_start3A_255 = arith.constant 0 : i32
      %dma_start3A_256 = tpu.memref_slice %arg6[%add3A_252, %dma_start3A_255] : memref<819200x128xf32, #tpu.memory_space<hbm>> -> memref<128x128xf32, #tpu.memory_space<hbm>>
      tpu.enqueue_dma source(%arg10 : memref<128x128xf32, #tpu.memory_space<vmem>>) target(%dma_start3A_256 : memref<128x128xf32, #tpu.memory_space<hbm>>) target_semaphore(%arg22 : memref<!tpu.dma_semaphore, #tpu.memory_space<semaphore_mem>>)
      %dma_wait3A_257 = arith.constant 0 : i32
      %dma_wait3A_258 = arith.constant 0 : i32
      %dma_wait3A_259 = tpu.memref_slice %arg4[%dma_wait3A_257, %dma_wait3A_258] : memref<1000000x128xf32, #tpu.memory_space<hbm>> -> memref<128x128xf32, #tpu.memory_space<hbm>>
      %dma_wait3A_260 = arith.constant 0 : i32
      %dma_wait3A_261 = arith.constant 0 : i32
      %dma_wait3A_262 = tpu.memref_slice %arg4[%dma_wait3A_260, %dma_wait3A_261] : memref<1000000x128xf32, #tpu.memory_space<hbm>> -> memref<128x128xf32, #tpu.memory_space<hbm>>
      tpu.wait_dma2 semaphore(%arg15 : memref<!tpu.dma_semaphore, #tpu.memory_space<semaphore_mem>>) src(%dma_wait3A_262 : memref<128x128xf32, #tpu.memory_space<hbm>>) dst(%arg11 : memref<128x128xf32, #tpu.memory_space<vmem>>)
      %sub3A_263 = arith.constant 1 : i32
      %sub3A_264 = arith.subi %add3A_231, %sub3A_263 : i32
      %mul3A_265 = arith.constant 128 : i32
      %mul3A_266 = arith.muli %sub3A_264, %mul3A_265 : i32
      %dma_start3A_267 = tpu.memref_slice %arg8[%mul3A_266] : memref<25600xi32, #tpu.memory_space<vmem>> -> memref<128xi32, #tpu.memory_space<vmem>>
      %dma_start3A_268 = arith.constant 0 : i32
      %dma_start3A_269 = arith.constant 0 : i32
      %dma_start3A_270 = tpu.memref_slice %arg9[%dma_start3A_268, %dma_start3A_269] : memref<400x128xf32, #tpu.memory_space<vmem_shared>> -> memref<400x128xf32, #tpu.memory_space<vmem_shared>>
      tpu.enqueue_indirect_dma source(%dma_start3A_270 : memref<400x128xf32, #tpu.memory_space<vmem_shared>>) target(%arg11 : memref<128x128xf32, #tpu.memory_space<vmem>>) offsets(%dma_start3A_267 : memref<128xi32, #tpu.memory_space<vmem>>) semaphore(%arg19 : memref<!tpu.dma_semaphore, #tpu.memory_space<semaphore_mem>>) {add = true}
      %mul3A_271 = arith.constant 4 : i32
      %mul3A_272 = arith.muli %scan3A_142, %mul3A_271 : i32
      %add3A_273 = arith.constant 3 : i32
      %add3A_274 = arith.addi %mul3A_272, %add3A_273 : i32
      %dma_wait3A_275 = arith.constant 0 : i32
      %dma_wait3A_276 = tpu.memref_slice %arg6[%mul3A_2, %dma_wait3A_275] : memref<819200x128xf32, #tpu.memory_space<hbm>> -> memref<128x128xf32, #tpu.memory_space<hbm>>
      %dma_wait3A_277 = arith.constant 0 : i32
      %dma_wait3A_278 = tpu.memref_slice %arg6[%mul3A_2, %dma_wait3A_277] : memref<819200x128xf32, #tpu.memory_space<hbm>> -> memref<128x128xf32, #tpu.memory_space<hbm>>
      tpu.wait_dma2 semaphore(%arg25 : memref<!tpu.dma_semaphore, #tpu.memory_space<semaphore_mem>>) src(%arg13 : memref<128x128xf32, #tpu.memory_space<vmem>>) dst(%dma_wait3A_278 : memref<128x128xf32, #tpu.memory_space<hbm>>)
      %mul3A_279 = arith.constant 128 : i32
      %mul3A_280 = arith.muli %add3A_274, %mul3A_279 : i32
      %dma_start3A_281 = tpu.memref_slice %arg7[%mul3A_280] : memref<25600xi32, #tpu.memory_space<vmem>> -> memref<128xi32, #tpu.memory_space<vmem>>
      %dma_start3A_282 = arith.constant 0 : i32
      %dma_start3A_283 = arith.constant 0 : i32
      %dma_start3A_284 = tpu.memref_slice %arg4[%dma_start3A_282, %dma_start3A_283] : memref<1000000x128xf32, #tpu.memory_space<hbm>> -> memref<1000000x128xf32, #tpu.memory_space<hbm>>
      tpu.enqueue_indirect_dma source(%dma_start3A_284 : memref<1000000x128xf32, #tpu.memory_space<hbm>>) target(%arg13 : memref<128x128xf32, #tpu.memory_space<vmem>>) offsets(%dma_start3A_281 : memref<128xi32, #tpu.memory_space<vmem>>) semaphore(%arg17 : memref<!tpu.dma_semaphore, #tpu.memory_space<semaphore_mem>>)
      %dma_wait3A_285 = arith.constant 0 : i32
      %dma_wait3A_286 = arith.constant 0 : i32
      %dma_wait3A_287 = tpu.memref_slice %arg4[%dma_wait3A_285, %dma_wait3A_286] : memref<1000000x128xf32, #tpu.memory_space<hbm>> -> memref<128x128xf32, #tpu.memory_space<hbm>>
      %dma_wait3A_288 = arith.constant 0 : i32
      %dma_wait3A_289 = arith.constant 0 : i32
      %dma_wait3A_290 = tpu.memref_slice %arg4[%dma_wait3A_288, %dma_wait3A_289] : memref<1000000x128xf32, #tpu.memory_space<hbm>> -> memref<128x128xf32, #tpu.memory_space<hbm>>
      tpu.wait_dma2 semaphore(%arg19 : memref<!tpu.dma_semaphore, #tpu.memory_space<semaphore_mem>>) src(%dma_wait3A_290 : memref<128x128xf32, #tpu.memory_space<hbm>>) dst(%arg11 : memref<128x128xf32, #tpu.memory_space<vmem>>)
      %sub3A_291 = arith.constant 2 : i32
      %sub3A_292 = arith.subi %add3A_274, %sub3A_291 : i32
      %mul3A_293 = arith.constant 128 : i32
      %mul3A_294 = arith.muli %sub3A_292, %mul3A_293 : i32
      %add3A_295 = arith.addi %mul3A_2, %mul3A_294 : i32
      %dma_start3A_296 = arith.constant 0 : i32
      %dma_start3A_297 = tpu.memref_slice %arg6[%add3A_295, %dma_start3A_296] : memref<819200x128xf32, #tpu.memory_space<hbm>> -> memref<128x128xf32, #tpu.memory_space<hbm>>
      %dma_start3A_298 = arith.constant 0 : i32
      %dma_start3A_299 = tpu.memref_slice %arg6[%add3A_295, %dma_start3A_298] : memref<819200x128xf32, #tpu.memory_space<hbm>> -> memref<128x128xf32, #tpu.memory_space<hbm>>
      tpu.enqueue_dma source(%arg11 : memref<128x128xf32, #tpu.memory_space<vmem>>) target(%dma_start3A_299 : memref<128x128xf32, #tpu.memory_space<hbm>>) target_semaphore(%arg23 : memref<!tpu.dma_semaphore, #tpu.memory_space<semaphore_mem>>)
      %dma_wait3A_300 = arith.constant 0 : i32
      %dma_wait3A_301 = arith.constant 0 : i32
      %dma_wait3A_302 = tpu.memref_slice %arg4[%dma_wait3A_300, %dma_wait3A_301] : memref<1000000x128xf32, #tpu.memory_space<hbm>> -> memref<128x128xf32, #tpu.memory_space<hbm>>
      %dma_wait3A_303 = arith.constant 0 : i32
      %dma_wait3A_304 = arith.constant 0 : i32
      %dma_wait3A_305 = tpu.memref_slice %arg4[%dma_wait3A_303, %dma_wait3A_304] : memref<1000000x128xf32, #tpu.memory_space<hbm>> -> memref<128x128xf32, #tpu.memory_space<hbm>>
      tpu.wait_dma2 semaphore(%arg16 : memref<!tpu.dma_semaphore, #tpu.memory_space<semaphore_mem>>) src(%dma_wait3A_305 : memref<128x128xf32, #tpu.memory_space<hbm>>) dst(%arg12 : memref<128x128xf32, #tpu.memory_space<vmem>>)
      %sub3A_306 = arith.constant 1 : i32
      %sub3A_307 = arith.subi %add3A_274, %sub3A_306 : i32
      %mul3A_308 = arith.constant 128 : i32
      %mul3A_309 = arith.muli %sub3A_307, %mul3A_308 : i32
      %dma_start3A_310 = tpu.memref_slice %arg8[%mul3A_309] : memref<25600xi32, #tpu.memory_space<vmem>> -> memref<128xi32, #tpu.memory_space<vmem>>
      %dma_start3A_311 = arith.constant 0 : i32
      %dma_start3A_312 = arith.constant 0 : i32
      %dma_start3A_313 = tpu.memref_slice %arg9[%dma_start3A_311, %dma_start3A_312] : memref<400x128xf32, #tpu.memory_space<vmem_shared>> -> memref<400x128xf32, #tpu.memory_space<vmem_shared>>
      tpu.enqueue_indirect_dma source(%dma_start3A_313 : memref<400x128xf32, #tpu.memory_space<vmem_shared>>) target(%arg12 : memref<128x128xf32, #tpu.memory_space<vmem>>) offsets(%dma_start3A_310 : memref<128xi32, #tpu.memory_space<vmem>>) semaphore(%arg20 : memref<!tpu.dma_semaphore, #tpu.memory_space<semaphore_mem>>) {add = true}
    }
    %scan3A_90 = arith.constant 49 : i32
    %dma_wait3A_91 = arith.constant 0 : i32
    %dma_wait3A_92 = arith.constant 0 : i32
    %dma_wait3A_93 = tpu.memref_slice %arg4[%dma_wait3A_91, %dma_wait3A_92] : memref<1000000x128xf32, #tpu.memory_space<hbm>> -> memref<128x128xf32, #tpu.memory_space<hbm>>
    %dma_wait3A_94 = arith.constant 0 : i32
    %dma_wait3A_95 = arith.constant 0 : i32
    %dma_wait3A_96 = tpu.memref_slice %arg4[%dma_wait3A_94, %dma_wait3A_95] : memref<1000000x128xf32, #tpu.memory_space<hbm>> -> memref<128x128xf32, #tpu.memory_space<hbm>>
    tpu.wait_dma2 semaphore(%arg17 : memref<!tpu.dma_semaphore, #tpu.memory_space<semaphore_mem>>) src(%dma_wait3A_96 : memref<128x128xf32, #tpu.memory_space<hbm>>) dst(%arg13 : memref<128x128xf32, #tpu.memory_space<vmem>>)
    %dma_start3A_97 = arith.constant 25472 : i32
    %dma_start3A_98 = tpu.memref_slice %arg8[%dma_start3A_97] : memref<25600xi32, #tpu.memory_space<vmem>> -> memref<128xi32, #tpu.memory_space<vmem>>
    %dma_start3A_99 = arith.constant 0 : i32
    %dma_start3A_100 = arith.constant 0 : i32
    %dma_start3A_101 = tpu.memref_slice %arg9[%dma_start3A_99, %dma_start3A_100] : memref<400x128xf32, #tpu.memory_space<vmem_shared>> -> memref<400x128xf32, #tpu.memory_space<vmem_shared>>
    tpu.enqueue_indirect_dma source(%dma_start3A_101 : memref<400x128xf32, #tpu.memory_space<vmem_shared>>) target(%arg13 : memref<128x128xf32, #tpu.memory_space<vmem>>) offsets(%dma_start3A_98 : memref<128xi32, #tpu.memory_space<vmem>>) semaphore(%arg21 : memref<!tpu.dma_semaphore, #tpu.memory_space<semaphore_mem>>) {add = true}
    %dma_wait3A_102 = arith.constant 0 : i32
    %dma_wait3A_103 = arith.constant 0 : i32
    %dma_wait3A_104 = tpu.memref_slice %arg4[%dma_wait3A_102, %dma_wait3A_103] : memref<1000000x128xf32, #tpu.memory_space<hbm>> -> memref<128x128xf32, #tpu.memory_space<hbm>>
    %dma_wait3A_105 = arith.constant 0 : i32
    %dma_wait3A_106 = arith.constant 0 : i32
    %dma_wait3A_107 = tpu.memref_slice %arg4[%dma_wait3A_105, %dma_wait3A_106] : memref<1000000x128xf32, #tpu.memory_space<hbm>> -> memref<128x128xf32, #tpu.memory_space<hbm>>
    tpu.wait_dma2 semaphore(%arg20 : memref<!tpu.dma_semaphore, #tpu.memory_space<semaphore_mem>>) src(%dma_wait3A_107 : memref<128x128xf32, #tpu.memory_space<hbm>>) dst(%arg12 : memref<128x128xf32, #tpu.memory_space<vmem>>)
    %add3A_108 = arith.constant 25344 : i32
    %add3A_109 = arith.addi %mul3A_2, %add3A_108 : i32
    %dma_start3A_110 = arith.constant 0 : i32
    %dma_start3A_111 = tpu.memref_slice %arg6[%add3A_109, %dma_start3A_110] : memref<819200x128xf32, #tpu.memory_space<hbm>> -> memref<128x128xf32, #tpu.memory_space<hbm>>
    %dma_start3A_112 = arith.constant 0 : i32
    %dma_start3A_113 = tpu.memref_slice %arg6[%add3A_109, %dma_start3A_112] : memref<819200x128xf32, #tpu.memory_space<hbm>> -> memref<128x128xf32, #tpu.memory_space<hbm>>
    tpu.enqueue_dma source(%arg12 : memref<128x128xf32, #tpu.memory_space<vmem>>) target(%dma_start3A_113 : memref<128x128xf32, #tpu.memory_space<hbm>>) target_semaphore(%arg24 : memref<!tpu.dma_semaphore, #tpu.memory_space<semaphore_mem>>)
    %dma_wait3A_114 = arith.constant 0 : i32
    %dma_wait3A_115 = arith.constant 0 : i32
    %dma_wait3A_116 = tpu.memref_slice %arg4[%dma_wait3A_114, %dma_wait3A_115] : memref<1000000x128xf32, #tpu.memory_space<hbm>> -> memref<128x128xf32, #tpu.memory_space<hbm>>
    %dma_wait3A_117 = arith.constant 0 : i32
    %dma_wait3A_118 = arith.constant 0 : i32
    %dma_wait3A_119 = tpu.memref_slice %arg4[%dma_wait3A_117, %dma_wait3A_118] : memref<1000000x128xf32, #tpu.memory_space<hbm>> -> memref<128x128xf32, #tpu.memory_space<hbm>>
    tpu.wait_dma2 semaphore(%arg21 : memref<!tpu.dma_semaphore, #tpu.memory_space<semaphore_mem>>) src(%dma_wait3A_119 : memref<128x128xf32, #tpu.memory_space<hbm>>) dst(%arg13 : memref<128x128xf32, #tpu.memory_space<vmem>>)
    %add3A_120 = arith.constant 25472 : i32
    %add3A_121 = arith.addi %mul3A_2, %add3A_120 : i32
    %dma_start3A_122 = arith.constant 0 : i32
    %dma_start3A_123 = tpu.memref_slice %arg6[%add3A_121, %dma_start3A_122] : memref<819200x128xf32, #tpu.memory_space<hbm>> -> memref<128x128xf32, #tpu.memory_space<hbm>>
    %dma_start3A_124 = arith.constant 0 : i32
    %dma_start3A_125 = tpu.memref_slice %arg6[%add3A_121, %dma_start3A_124] : memref<819200x128xf32, #tpu.memory_space<hbm>> -> memref<128x128xf32, #tpu.memory_space<hbm>>
    tpu.enqueue_dma source(%arg13 : memref<128x128xf32, #tpu.memory_space<vmem>>) target(%dma_start3A_125 : memref<128x128xf32, #tpu.memory_space<hbm>>) target_semaphore(%arg25 : memref<!tpu.dma_semaphore, #tpu.memory_space<semaphore_mem>>)
    %dma_wait3A_126 = arith.constant 0 : i32
    %dma_wait3A_127 = tpu.memref_slice %arg6[%mul3A_2, %dma_wait3A_126] : memref<819200x128xf32, #tpu.memory_space<hbm>> -> memref<128x128xf32, #tpu.memory_space<hbm>>
    %dma_wait3A_128 = arith.constant 0 : i32
    %dma_wait3A_129 = tpu.memref_slice %arg6[%mul3A_2, %dma_wait3A_128] : memref<819200x128xf32, #tpu.memory_space<hbm>> -> memref<128x128xf32, #tpu.memory_space<hbm>>
    tpu.wait_dma2 semaphore(%arg22 : memref<!tpu.dma_semaphore, #tpu.memory_space<semaphore_mem>>) src(%arg10 : memref<128x128xf32, #tpu.memory_space<vmem>>) dst(%dma_wait3A_129 : memref<128x128xf32, #tpu.memory_space<hbm>>)
    %dma_wait3A_130 = arith.constant 0 : i32
    %dma_wait3A_131 = tpu.memref_slice %arg6[%mul3A_2, %dma_wait3A_130] : memref<819200x128xf32, #tpu.memory_space<hbm>> -> memref<128x128xf32, #tpu.memory_space<hbm>>
    %dma_wait3A_132 = arith.constant 0 : i32
    %dma_wait3A_133 = tpu.memref_slice %arg6[%mul3A_2, %dma_wait3A_132] : memref<819200x128xf32, #tpu.memory_space<hbm>> -> memref<128x128xf32, #tpu.memory_space<hbm>>
    tpu.wait_dma2 semaphore(%arg23 : memref<!tpu.dma_semaphore, #tpu.memory_space<semaphore_mem>>) src(%arg11 : memref<128x128xf32, #tpu.memory_space<vmem>>) dst(%dma_wait3A_133 : memref<128x128xf32, #tpu.memory_space<hbm>>)
    %dma_wait3A_134 = arith.constant 0 : i32
    %dma_wait3A_135 = tpu.memref_slice %arg6[%mul3A_2, %dma_wait3A_134] : memref<819200x128xf32, #tpu.memory_space<hbm>> -> memref<128x128xf32, #tpu.memory_space<hbm>>
    %dma_wait3A_136 = arith.constant 0 : i32
    %dma_wait3A_137 = tpu.memref_slice %arg6[%mul3A_2, %dma_wait3A_136] : memref<819200x128xf32, #tpu.memory_space<hbm>> -> memref<128x128xf32, #tpu.memory_space<hbm>>
    tpu.wait_dma2 semaphore(%arg24 : memref<!tpu.dma_semaphore, #tpu.memory_space<semaphore_mem>>) src(%arg12 : memref<128x128xf32, #tpu.memory_space<vmem>>) dst(%dma_wait3A_137 : memref<128x128xf32, #tpu.memory_space<hbm>>)
    %dma_wait3A_138 = arith.constant 0 : i32
    %dma_wait3A_139 = tpu.memref_slice %arg6[%mul3A_2, %dma_wait3A_138] : memref<819200x128xf32, #tpu.memory_space<hbm>> -> memref<128x128xf32, #tpu.memory_space<hbm>>
    %dma_wait3A_140 = arith.constant 0 : i32
    %dma_wait3A_141 = tpu.memref_slice %arg6[%mul3A_2, %dma_wait3A_140] : memref<819200x128xf32, #tpu.memory_space<hbm>> -> memref<128x128xf32, #tpu.memory_space<hbm>>
    tpu.wait_dma2 semaphore(%arg25 : memref<!tpu.dma_semaphore, #tpu.memory_space<semaphore_mem>>) src(%arg13 : memref<128x128xf32, #tpu.memory_space<vmem>>) dst(%dma_wait3A_141 : memref<128x128xf32, #tpu.memory_space<hbm>>)
    return
  }
}

</mosaic_0001>

<sc_bundles>
// kernel: kernel.3.cloned.1.call-start
scs
__scs_entry_jumppad:
0x0: {  	(pc) =	sbr.rel $0x88, $3  }
0x1: {  	(tag) =	ssettag $0x0;
	lr =	simm.s32 $0x1  }
0x2: {  	[smem:$0x3F9C] =	sst lr;
	_ =	strace $0xD0000000  }
0x3: {  	_ = 	snop  }
0x4: {  	_ = 	snop  }
0x5: {  	_ = 	snop  }
0x6: {  	_ = 	snop  }
0x7: {  	_ = 	snop  }
__scs_overlays_trampoline_lowered:
0x8: {  	[smem:$0x3FAB] =	sst s0  }
0x9: {  	[smem:$0x3FAC] =	sst s1  }
0xa: {  	[smem:$0x3FAD] =	sst s2  }
0xb: {  	[smem:$0x3FAE] =	sst s3  }
0xc: {  	[smem:$0x3FAF] =	sst s4  }
0xd: {  	[smem:$0x3FB0] =	sst s5  }
0xe: {  	[smem:$0x3FB1] =	sst s6  }
0xf: {  	[smem:$0x3FB2] =	sst s7  }
0x10: {  	[smem:$0x3FB3] =	sst s8  }
0x11: {  	[smem:$0x3FB4] =	sst s9;
	s0 =	simm.s32 @!p0 $0x0  }
0x12: {  	s1 =	sld [smem:$0x3F9A];
	s0 =	simm.s32 @p0 $0x1  }
0x13: {  	[smem:$0x3FB5] =	sst s0;
	s0 =	simm.s32 @!p1 $0x0  }
0x14: {  	s2 =	sld [smem:$0x3F99];
	s0 =	simm.s32 @p1 $0x1  }
0x15: {  	[smem:$0x3FB6] =	sst s0;
	s0 =	simm.s32 @!p2 $0x0  }
0x16: {  	s3 =	sld [smem:$0x3FDB];
	s0 =	simm.s32 @p2 $0x1  }
0x17: {  	s4 =	simm.s32 $0x1BF5;
	[smem:$0x3FB8] =	sst s0  }
0x18: {  	s0 =	sld [smem:$0x3F9B];
	_ =	swait.ge [sflag:s4], $0x0  }
0x19: {  	s7 =	sld [smem:$0x3F9C]  }
0x1a: {  	s8 =	sadd.s32 $0xFFFFE003, lr  }
0x1b: {  	s9 =	sadd.s32 $0xFFFFFEF7, lr;
	s5 =	simm.s32 $0xFFFFFFFF;
	p2 =	slt.u32 s8, $0xFFFFF086  }
0x1c: {  	p1 =	slt.u32 s9, $0xF7A;
	s5 =	simm.s32 @!p2 $0x0  }
0x1d: {  	s5 =	simm.s32 @p1 $0x1;
	p0 =	seq.s32 s7, s2  }
0x1e: {  	s7 =	smul.u32 @!p0 $0xF7A, s2;
	p2 =	seq.s32 @!p0 s5, $0x0  }
0x1f: {  	s9 =	smul.u32 $0xF7A, s1;
	s8 =	simm.s32 @!p0 $0x1BF5;
	p2 =	por !p2, p0  }
0x20: {  	[sflag:s8] =	ssyncset.s32 @!p0 $0xFFFFF086;
	s6 =	sadd.s32 @!p0 s3, s7;
	s7 =	simm.s32 @!p0 $0x108  }
0x21: {  	s3 =	sadd.s32 s3, s9;
	s6 =	sadd.s32 @!p0 $0x88, s6;
	s7 =	simm.s32 @p2 $0x1082  }
0x22: {  	[simem:s7], [sflag:s8] =	dma.local @!p0 [hbm:s6], $0xF7A  }
0x23: {  	s9 =	sor.u32 $0xD0000000, s2;
	s6 =	simm.s32 $0x108;
	_ =	swait.ge @!p0 [sflag:s8], $0x0  }
0x24: {  	s3 =	sadd.s32 $0x88, s3;
	s6 =	simm.s32 @!p1 $0x1082;
	[sflag:s4] =	ssyncset.s32 $0xFFFFF086  }
0x25: {  	[simem:s6], [sflag:s4] =	dma.local [hbm:s3], $0xF7A  }
0x26: {  	[smem:$0x3F9C] =	sst s1;
	(tag) =	ssettag s2;
	_ =	strace s9  }
0x27: {  	s1 =	sld [smem:$0x3FAC]  }
0x28: {  	s2 =	sld [smem:$0x3FAD]  }
0x29: {  	s4 =	sld [smem:$0x3FAF]  }
0x2a: {  	p0 =	seq.s32 s5, $0x0;
	s5 =	sld [smem:$0x3FB0]  }
0x2b: {  	s6 =	sld [smem:$0x3FB1]  }
0x2c: {  	s7 =	sld [smem:$0x3FB2]  }
0x2d: {  	s3 =	simm.s32 $0x108;
	s8 =	sld [smem:$0x3FB3]  }
0x2e: {  	s3 =	simm.s32 @!p0 $0x1082;
	s9 =	sld [smem:$0x3FB4]  }
0x2f: {  	lr =	sadd.s32 s0, s3;
	s0 =	sld [smem:$0x3FAB]  }
0x30: {  	s3 =	sld [smem:$0x3FAE]  }
0x31: {  	[smem:$0x3FB7] =	sst s10  }
0x32: {  	s10 =	sld [smem:$0x3FB5];
	_ =	sdelay $0x3  }
0x33: {  	p0 =	seq.s32 s10, $0x1;
	s10 =	sld [smem:$0x3FB7];
	_ =	sdelay $0x3  }
0x34: {  	[smem:$0x3FB7] =	sst s10  }
0x35: {  	s10 =	sld [smem:$0x3FB6];
	_ =	sdelay $0x3  }
0x36: {  	p1 =	seq.s32 s10, $0x1;
	s10 =	sld [smem:$0x3FB7];
	_ =	sdelay $0x3  }
0x37: {  	[smem:$0x3FB7] =	sst s10  }
0x38: {  	s10 =	sld [smem:$0x3FB8]  }
0x39: {  	_ = 	snop;
	(pc) =	sbr.ind lr, $3  }
0x3a: {  	_ = 	snop  }
0x3b: {  	_ = 	snop  }
0x3c: {  	p2 =	seq.s32 s10, $0x1;
	s10 =	sld [smem:$0x3FB7]  }
0x3d: {  	_ =	shalt  }
0x3e: {  	_ =	shalt  }
0x3f: {  	_ =	shalt  }
0x40: {  	_ =	shalt  }
0x41: {  	_ =	shalt  }
0x42: {  	_ =	shalt  }
0x43: {  	_ =	shalt  }
0x44: {  	_ =	shalt  }
0x45: {  	_ =	shalt  }
0x46: {  	_ =	shalt  }
0x47: {  	_ =	shalt  }
0x48: {  	_ =	shalt  }
0x49: {  	_ =	shalt  }
0x4a: {  	_ =	shalt  }
0x4b: {  	_ =	shalt  }
0x4c: {  	_ =	shalt  }
0x4d: {  	_ =	shalt  }
0x4e: {  	_ =	shalt  }
0x4f: {  	_ =	shalt  }
0x50: {  	_ =	shalt  }
0x51: {  	_ =	shalt  }
0x52: {  	_ =	shalt  }
0x53: {  	_ =	shalt  }
0x54: {  	_ =	shalt  }
0x55: {  	_ =	shalt  }
0x56: {  	_ =	shalt  }
0x57: {  	_ =	shalt  }
0x58: {  	_ =	shalt  }
0x59: {  	_ =	shalt  }
0x5a: {  	_ =	shalt  }
0x5b: {  	_ =	shalt  }
0x5c: {  	_ =	shalt  }
0x5d: {  	_ =	shalt  }
0x5e: {  	_ =	shalt  }
0x5f: {  	_ =	shalt  }
0x60: {  	_ =	shalt  }
0x61: {  	_ =	shalt  }
0x62: {  	_ =	shalt  }
0x63: {  	_ =	shalt  }
0x64: {  	_ =	shalt  }
0x65: {  	_ =	shalt  }
0x66: {  	_ =	shalt  }
0x67: {  	_ =	shalt  }
0x68: {  	_ =	shalt  }
0x69: {  	_ =	shalt  }
0x6a: {  	_ =	shalt  }
0x6b: {  	_ =	shalt  }
0x6c: {  	_ =	shalt  }
0x6d: {  	_ =	shalt  }
0x6e: {  	_ =	shalt  }
0x6f: {  	_ =	shalt  }
0x70: {  	_ =	shalt  }
0x71: {  	_ =	shalt  }
0x72: {  	_ =	shalt  }
0x73: {  	_ =	shalt  }
0x74: {  	_ =	shalt  }
0x75: {  	_ =	shalt  }
0x76: {  	_ =	shalt  }
0x77: {  	_ =	shalt  }
0x78: {  	_ =	shalt  }
0x79: {  	_ =	shalt  }
0x7a: {  	_ =	shalt  }
0x7b: {  	_ =	shalt  }
0x7c: {  	_ =	shalt  }
0x7d: {  	_ =	shalt  }
0x7e: {  	_ =	shalt  }
0x7f: {  	_ =	shalt  }
0x80: {  	_ =	shalt  }
0x81: {  	_ =	shalt  }
0x82: {  	_ =	shalt  }
0x83: {  	_ =	shalt  }
0x84: {  	_ =	shalt  }
0x85: {  	_ =	shalt  }
0x86: {  	_ =	shalt  }
0x87: {  	_ =	shalt  }
.Lfunc_end0:
.L_simem_size_0:
called_computation_lowered:
.L_overlay_start_0:
0x88: {  	s2 =	sld [smem:$0x3FD9]  }
0x89: {  	s3 =	sld [smem:$0x3FFE];
	_ =	sdelay $0x1  }
0x8a: {  	s1 =	srdreg.scid  }
0x8b: {  	s0 =	sand.u32 $0x1, s1  }
0x8c: {  	s17 =	sshll.u32 s0, $0xA;
	s2 =	sadd.s32 s3, s2  }
0x8d: {  	s2 =	sadd.s32 s2, s17  }
0x8e: {  	[smem:$0x3FC3] =	sst s2  }
0x8f: {  	_ = 	snop  }
0x90: {  	s2 =	sld [smem:$0x3FC7]  }
0x91: {  	s18 =	sld [smem:$0x3FD0];
	(tm) =	ssettm $0x1  }
0x92: {  	s4 =	sld [smem:$0x3FFB];
	_ =	sdelay $0x3  }
0x93: {  	_ =	strace s4  }
0x94: {  	s4 =	sld [smem:$0x3FFC];
	_ =	sdelay $0x3  }
0x95: {  	_ =	strace s4  }
0x96: {  	s4 =	sld [smem:$0x3FFD];
	_ =	sdelay $0x3  }
0x97: {  	_ =	strace s4  }
0x98: {  	_ =	strace $0x8FFFFFFF  }
0x99: {  	s19 =	sld [smem:$0x3FDB];
	_ =	sdelay $0x1  }
0x9a: {  	s5 =	simm.s32 $_scs_section_size  }
0x9b: {  	s6 =	simm.s32 $_size__tile_overlayer_lowered;
	s7 =	simm.s32 $_tile_overlayer_lowered  }
0x9c: {  	s22 =	simm.s32 $0x1BFF;
	s21 =	sshll.u32 s7, $0x1;
	s4 =	sadd.s32 s5, s19  }
0x9d: {  	s8 =	simm.s32 $0x0;
	s20 =	sshll.u32 s6, $0x1;
	s6 =	sadd.s32 s21, s4  }
0x9e: {  	[timem:s8], [sflag:s22] =	dma.local [hbm:s6], s20  }
0x9f: {  	_ =	swait.ge [sflag:s22], s20  }
0xa0: {  	s5 =	ssub.s32 $0x0, s20;
	[sflag:s22] =	ssyncset.done $0x0  }
0xa1: {  	[sflag:s22] =	ssyncadd.s32 s5;
	_ =	sdelay $0x1  }
0xa2: {  	s23 =	simm.s32 $0x1B8B  }
0xa3: {  	_ =	swait.ge [sflag:s23], $0x1  }
0xa4: {  	[sflag:s23] =	ssyncset.done $0x0  }
0xa5: {  	s25 =	simm.s32 $0x1B8E;
	s24 =	sld [smem:$0x3FFE];
	[sflag:s23] =	ssyncadd.s32 $0xFFFFFFFF  }
0xa6: {  	s26 =	simm.s32 $execute0_lowered;
	[smem:$0x3FD2] =	sst s25  }
0xa7: {  	s6 =	sshll.u32 s26, $0x1;
	_ =	strace $0x80000046;
	[dreg:$0x1] =	wrdreg $0xFFFFFFFF  }
0xa8: {  	s28 =	simm.s32 $_size_execute0_lowered;
	s4 =	sadd.s32 s4, s6;
	[dreg:$0x0] =	wrdreg $0x0  }
0xa9: {  	s6 =	sshll.u32 s28, $0x1;
	[dreg:$0x2] =	wrdreg s4  }
0xaa: {  	[dreg:$0x3] =	wrdreg s6  }
0xab: {  	[dreg:$0x4] =	wrdreg $0xC0  }
0xac: {  	_ =	task [dreg:s8], $0x5FFFF  }
0xad: {  	[dreg:$0x1] =	wrdreg $0xFFFFFFFF  }
0xae: {  	[dreg:$0x0] =	wrdreg $0x60  }
0xaf: {  	[dreg:$0x2] =	wrdreg s24  }
0xb0: {  	[dreg:$0x3] =	wrdreg s2  }
0xb1: {  	[dreg:$0x4] =	wrdreg s18  }
0xb2: {  	[dreg:$0x5] =	wrdreg $0xC8000  }
0xb3: {  	[dreg:$0x6] =	wrdreg $0x9  }
0xb4: {  	_ =	task.clear_ibuf [dreg:s8], $0x7FFFF;
	_ =	strace $0x90000046  }
0xb5: {  	s29 =	simm.s32 $0x9;
	_ =	strace $0x80000048  }
0xb6: {  	_ =	swait.ge [sflag:s29], $0x1  }
0xb7: {  	[sflag:s29] =	ssyncadd.s32 $0xFFFFFFFF  }
0xb8: {  	_ =	strace $0x90000048  }
0xb9: {  	_ =	sfence  }
0xba: {  	s30 =	sld [smem:$0x0];
	_ =	sdelay $0x2  }
0xbb: {  	s31 =	sshll.u32 s1, $0xD;
	s1 =	sshrl.u32 s1, $0x2  }
0xbc: {  	s3 =	sand.u32 $0x4000, s31;
	s1 =	sadd.s32 s1, s30  }
0xbd: {  	s0 =	sor.u32 s3, s0;
	s1 =	sshll.u32 s1, $0x11  }
0xbe: {  	s0 =	sor.u32 s1, s0  }
0xbf: {  	s0 =	sadd.s32 $0x8F2B, s0  }
0xc0: {  	[sflag:s0] =	ssyncadd.remote.s32 $0x1  }
0xc1: {  	_ =	sfence.sel $0xFFFF  }
0xc2: {  	[dreg:$0x0] =	wrdreg $0xFFFFFFFF;
	(pc) =	sbr.abs _section_cstart, $3  }
0xc3: {  	[dreg:$0x1] =	wrdreg $0xFFFFFFFF  }
0xc4: {  	_ =	task.clear_ibuf [dreg:s8], $0x2FFFF;
	_ =	strace $0x9FFFFFFF  }
0xc5: {  	(tm) =	ssettm $0x7FFFFFFF  }
tec
execute0_lowered:
.L_overlay_start_1:
0x0: {  	(tag) =	ssettag $0x1  }
0x1: {  	s1 =	rddreg [dreg:$0x0]  }
0x2: {  	s0 =	rddreg [dreg:$0x1]  }
0x3: {  	s2 =	srdreg.scid;
	s4 =	stileid.u32  }
0x4: {  	s5 =	rddreg [dreg:$0x2];
	s15 =	simm.s32 $0xD;
	s16 =	simm.s32 $0x6400  }
0x5: {  	s17 =	simm.s32 $0x80;
	s18 =	simm.s32 $0xD480;
	s19 =	simm.s32 $0x11480  }
0x6: {  	s28 =	simm.s32 $0x5;
	s29 =	simm.s32 $0x3;
	s22 =	smul.u32 $0xC800, s4  }
0x7: {  	s31 =	simm.s32 $0x6;
	s6 =	sand.u32 $0x1, s2;
	s24 =	smul.u32 $0xC8000, s4  }
0x8: {  	s30 =	simm.s32 $0x8;
	s3 =	sshll.u32 s4, $0x1;
	s12 =	smul.u32 $0x6400, s6  }
0x9: {  	s7 =	sor.u32 s6, s3;
	s9 =	ssub.s32 $0x2, s6;
	s6 =	smul.u32 $0x64000, s6  }
0xa: {  	s2 =	rddreg [dreg:$0x3];
	p0 =	sne.s32 s4, $0x0;
	s8 =	smul.u32 $0x6400, s7  }
0xb: {  	s4 =	simm.s32 $0xB;
	s3 =	simm.s32 $0x0;
	s10 =	smul.u32 $0x64000, s7  }
0xc: {  	s14 =	sshrl.u32 @!p0 s2, $0x3;
	[smem:$0x7FF] =	sst s3;
	s7 =	smul.u32 $0x320000, s7  }
0xd: {  	s20 =	sshrl.u32 s9, $0x1;
	s26 =	sadd.s32 s24, s5;
	s24 =	simm.s32 $0x1  }
0xe: {  	_ =	strace $0x80000047;
	s8 =	sshrl.u32 s8, $0x3;
	s23 =	sshrl.u32 s7, $0x3  }
0xf: {  	s7 =	sadd.s32 s5, s10;
	s8 =	sadd.s32 s8, s1;
	s1 =	sadd.s32 $0x32C00, s1  }
0x10: {  	s12 =	sadd.s32 s12, s22;
	s11 =	sadd.s32 $0x800, s7;
	[dreg:$0x5] =	wrdreg s1  }
0x11: {  	s22 =	simm.s32 $0x4;
	s21 =	sadd.s32 $0xC00, s8;
	[dreg:$0x8] =	wrdreg s11  }
0x12: {  	s1 =	ssub.s32 s9, s20;
	s8 =	sadd.s32 $0x19C00, s8;
	[dreg:$0x6] =	wrdreg s21  }
0x13: {  	s20 =	simm.s32 $0x7;
	[dreg:$0x7] =	wrdreg s8;
	s8 =	sadd.s32 s5, s23  }
0x14: {  	s1 =	smax.u32 s1, $0x1;
	s21 =	simm.s32 $0x15480;
	s23 =	simm.s32 $0x19480  }
0x15: {  	s5 =	simm.s32 $0xC;
	s25 =	sadd.s32 $0x63000, s8;
	[dreg:$0xb] =	wrdreg s1  }
0x16: {  	s8 =	sadd.s32 $0x63800, s8;
	s1 =	sadd.s32 s6, s26;
	[dreg:$0x9] =	wrdreg s25  }
0x17: {  	s26 =	simm.s32 $0xA;
	s6 =	simm.s32 $0x0;
	[dreg:$0xa] =	wrdreg s8  }
0x18: {  	v0 =	vlaneseq.u32;
	s13 =	sadd.s32 $0x2800, s1;
	s25 =	simm.s32 $0x2;
	s1 =	simm.s32 $0x9  }
.LBB2_1:
0x19: {  	s8 =	simm.s32 @!p0 $0x1C0D;
	s9 =	rddreg [dreg:$0x5]  }
0x1a: {  	[spmem:s14], [sflag:s8] =	dma.local @!p0 [hbm:s9], $0x1900  }
0x1b: {  	s8 =	simm.s32 @!p0 $0xD  }
0x1c: {  	_ =	swait.ge @!p0 [sflag:s8], $0x1900  }
0x1d: {  	[sflag:s8] =	ssyncset.done @!p0 $0x0  }
0x1e: {  	s11 =	rddreg [dreg:$0x6];
	[sflag:s8] =	ssyncadd.s32 @!p0 $0xFFFFE700  }
0x1f: {  	[tilespmem:s3], [sflag:$0xD] =	stream.linear.gather [hbm4b:s11+s3], $0x6400, $0x38;
	[tilespmem:$0x1D480] =	vst v63  }
0x20: {  	_ =	swait.ge [sflag:s15], $0x6400  }
0x21: {  	[sflag:s15] =	ssyncset.done $0x0  }
0x22: {  	s9 =	rddreg [dreg:$0x7];
	[sflag:s15] =	ssyncadd.s32 $0xFFFF9C00  }
0x23: {  	[tilespmem:s16], [sflag:$0xD] =	stream.linear.gather [hbm4b:s9+s3], $0x6400, $0x38;
	[tilespmem:$0x1D480] =	vst v63  }
0x24: {  	_ =	swait.ge [sflag:s15], $0x6400  }
0x25: {  	[sflag:s15] =	ssyncset.done $0x0  }
0x26: {  	[sflag:s15] =	ssyncadd.s32 $0xFFFF9C00  }
0x27: {  	[tilespmem:s18], [sflag:$0x1] =	stream.indirect.gather [hbm4b:s0+s17], $0x80, s3, s17, $0xb8;
	[tilespmem:$0x1D480] =	vst v63  }
0x28: {  	_ = 	snop  }
0x29: {  	[tilespmem:s19], [sflag:$0x2] =	stream.indirect.gather [hbm4b:s0+s17], $0x80, s17, s17, $0xb8;
	[tilespmem:$0x1D480] =	vst v63  }
0x2a: {  	s10 =	simm.s32 $0x100;
	s8 =	simm.s32 $0x0  }
0x2b: {  	[tilespmem:s21], [sflag:$0x3] =	stream.indirect.gather [hbm4b:s0+s17], $0x80, s10, s17, $0xb8;
	[tilespmem:$0x1D480] =	vst v63  }
0x2c: {  	s11 =	simm.s32 $0x180;
	s9 =	smov.u32 s12;
	s10 =	simm.s32 $0x40  }
0x2d: {  	[tilespmem:s23], [sflag:$0x4] =	stream.indirect.gather [hbm4b:s0+s17], $0x80, s11, s17, $0xb8;
	[tilespmem:$0x1D480] =	vst v63  }
.LBB2_2:
0x2e: {  	p1 =	sne.s32 s10, $0x18FC0;
	v1 =	vor.u32 s9, v0;
	v2 =	vld [tilespmem:s8+$0x6400]  }
0x2f: {  	v3 =	vmulhi.u32 $0x51EB851F, v1;
	_ =	sdelay $0x1  }
0x30: {  	v3 =	vshrl.u32 v3, $0x6  }
.Ltmp0:
0x31: {  	v3 =	vmul.u32 $0xC8, v3;
	(pc) =	sbr.rel @p1 .LBB2_2-.Ltmp0, $4  }
0x32: {  	v2 =	vmul.u32 $0xC8, v2  }
0x33: {  	v1 =	vsub.s32 v1, v3  }
0x34: {  	v1 =	vadd.s32 v1, v2  }
0x35: {  	s9 =	sadd.s32 $0x10, s9;
	[tilespmem:s8+$0x6400] =	vst v1;
	s8 =	sshra.s32 s10, $0x2;
	s10 =	sadd.s32 $0x40, s10  }
0x36: {  	v1 =	vor.u32 s9, v0;
	v2 =	vld [tilespmem:s8+$0x6400]  }
0x37: {  	v3 =	vmulhi.u32 $0x51EB851F, v1;
	_ =	sdelay $0x1  }
0x38: {  	v3 =	vshrl.u32 v3, $0x6  }
0x39: {  	v3 =	vmul.u32 $0xC8, v3  }
0x3a: {  	v2 =	vmul.u32 $0xC8, v2  }
0x3b: {  	v1 =	vsub.s32 v1, v3  }
0x3c: {  	v1 =	vadd.s32 v1, v2  }
0x3d: {  	[tilespmem:s8+$0x6400] =	vst v1  }
0x3e: {  	[bflag:$0x0] =	sbarrier.arrive $0xFFFF  }
0x3f: {  	_ =	swait.ge [sflag:s24], $0x4000  }
0x40: {  	[sflag:s24] =	ssyncset.done $0x0  }
0x41: {  	[sflag:s24] =	ssyncadd.s32 $0xFFFFC000  }
0x42: {  	[tilespmem:s18], [sflag:$0x5] =	stream.indirect.gather.add.f32 [spmem:s2], $0x80, s16, s17, $0xb8;
	[tilespmem:$0x1D480] =	vst v63  }
0x43: {  	_ =	swait.ge [sflag:s25], $0x4000  }
0x44: {  	[sflag:s25] =	ssyncset.done $0x0  }
0x45: {  	s10 =	simm.s32 $0x6480;
	[sflag:s25] =	ssyncadd.s32 $0xFFFFC000  }
0x46: {  	[tilespmem:s19], [sflag:$0x6] =	stream.indirect.gather.add.f32 [spmem:s2], $0x80, s10, s17, $0xb8;
	[tilespmem:$0x1D480] =	vst v63  }
0x47: {  	_ =	swait.ge [sflag:s28], $0x4000  }
0x48: {  	[sflag:s28] =	ssyncset.done $0x0  }
0x49: {  	s8 =	simm.s32 $0x0;
	[sflag:s28] =	ssyncadd.s32 $0xFFFFC000  }
0x4a: {  	[hbm4b:s7+s8] =	stream.linear.scatter [tilespmem:s18], [sflag:$0x9], $0x4000, $0x38;
	[tilespmem:$0x1D480] =	vst v63  }
0x4b: {  	_ =	swait.ge [sflag:s29], $0x4000  }
0x4c: {  	[sflag:s29] =	ssyncset.done $0x0  }
0x4d: {  	s11 =	simm.s32 $0x6500;
	[sflag:s29] =	ssyncadd.s32 $0xFFFFC000  }
0x4e: {  	[tilespmem:s21], [sflag:$0x7] =	stream.indirect.gather.add.f32 [spmem:s2], $0x80, s11, s17, $0xb8;
	[tilespmem:$0x1D480] =	vst v63  }
0x4f: {  	_ =	swait.ge [sflag:s31], $0x4000  }
0x50: {  	[sflag:s31] =	ssyncset.done $0x0  }
0x51: {  	s10 =	rddreg [dreg:$0x8];
	[sflag:s31] =	ssyncadd.s32 $0xFFFFC000  }
0x52: {  	[hbm4b:s10+s8] =	stream.linear.scatter [tilespmem:s19], [sflag:$0xA], $0x4000, $0x38;
	[tilespmem:$0x1D480] =	vst v63  }
0x53: {  	_ =	swait.ge [sflag:s1], $0x4000  }
0x54: {  	[sflag:s1] =	ssyncset.done $0x0  }
0x55: {  	s11 =	simm.s32 $0x200;
	[sflag:s1] =	ssyncadd.s32 $0xFFFFC000  }
0x56: {  	[tilespmem:s18], [sflag:$0x1] =	stream.indirect.gather [hbm4b:s0+s17], $0x80, s11, s17, $0xb8;
	[tilespmem:$0x1D480] =	vst v63  }
0x57: {  	_ =	swait.ge [sflag:s20], $0x4000  }
0x58: {  	[sflag:s20] =	ssyncset.done $0x0  }
0x59: {  	s9 =	sadd.s32 $0xFFFFE800, s13;
	[sflag:s20] =	ssyncadd.s32 $0xFFFFC000  }
0x5a: {  	[hbm4b:s9+s3] =	stream.linear.scatter [tilespmem:s21], [sflag:$0xB], $0x4000, $0x38;
	[tilespmem:$0x1D480] =	vst v63  }
0x5b: {  	_ =	swait.ge [sflag:s22], $0x4000  }
0x5c: {  	[sflag:s22] =	ssyncset.done $0x0  }
0x5d: {  	s10 =	simm.s32 $0x6580;
	[sflag:s22] =	ssyncadd.s32 $0xFFFFC000  }
0x5e: {  	[tilespmem:s23], [sflag:$0x8] =	stream.indirect.gather.add.f32 [spmem:s2], $0x80, s10, s17, $0xb8;
	[tilespmem:$0x1D480] =	vst v63  }
0x5f: {  	_ =	swait.ge [sflag:s26], $0x4000  }
0x60: {  	[sflag:s26] =	ssyncset.done $0x0  }
0x61: {  	s11 =	simm.s32 $0x280;
	[sflag:s26] =	ssyncadd.s32 $0xFFFFC000  }
0x62: {  	[tilespmem:s19], [sflag:$0x2] =	stream.indirect.gather [hbm4b:s0+s17], $0x80, s11, s17, $0xb8;
	[tilespmem:$0x1D480] =	vst v63  }
0x63: {  	_ =	swait.ge [sflag:s30], $0x4000  }
0x64: {  	[sflag:s30] =	ssyncset.done $0x0  }
0x65: {  	s9 =	sadd.s32 $0xFFFFF000, s13;
	[sflag:s30] =	ssyncadd.s32 $0xFFFFC000  }
0x66: {  	[hbm4b:s9+s3] =	stream.linear.scatter [tilespmem:s23], [sflag:$0xC], $0x4000, $0x38;
	[tilespmem:$0x1D480] =	vst v63  }
0x67: {  	_ =	swait.ge [sflag:s24], $0x4000  }
0x68: {  	[sflag:s24] =	ssyncset.done $0x0  }
0x69: {  	s10 =	simm.s32 $0x6600;
	[sflag:s24] =	ssyncadd.s32 $0xFFFFC000  }
0x6a: {  	[tilespmem:s18], [sflag:$0x5] =	stream.indirect.gather.add.f32 [spmem:s2], $0x80, s10, s17, $0xb8;
	[tilespmem:$0x1D480] =	vst v63  }
0x6b: {  	_ =	swait.ge [sflag:s4], $0x4000  }
0x6c: {  	[sflag:s4] =	ssyncset.done $0x0  }
0x6d: {  	s11 =	simm.s32 $0x300;
	[sflag:s4] =	ssyncadd.s32 $0xFFFFC000  }
0x6e: {  	[tilespmem:s21], [sflag:$0x3] =	stream.indirect.gather [hbm4b:s0+s17], $0x80, s11, s17, $0xb8;
	[tilespmem:$0x1D480] =	vst v63  }
0x6f: {  	_ =	swait.ge [sflag:s28], $0x4000  }
0x70: {  	[sflag:s28] =	ssyncset.done $0x0  }
0x71: {  	s9 =	sadd.s32 $0xFFFFF800, s13;
	[sflag:s28] =	ssyncadd.s32 $0xFFFFC000  }
0x72: {  	[hbm4b:s9+s3] =	stream.linear.scatter [tilespmem:s18], [sflag:$0x9], $0x4000, $0x38;
	[tilespmem:$0x1D480] =	vst v63  }
0x73: {  	_ =	swait.ge [sflag:s25], $0x4000  }
0x74: {  	[sflag:s25] =	ssyncset.done $0x0  }
0x75: {  	s10 =	simm.s32 $0x6680;
	[sflag:s25] =	ssyncadd.s32 $0xFFFFC000  }
0x76: {  	[tilespmem:s19], [sflag:$0x6] =	stream.indirect.gather.add.f32 [spmem:s2], $0x80, s10, s17, $0xb8;
	[tilespmem:$0x1D480] =	vst v63  }
0x77: {  	_ =	swait.ge [sflag:s5], $0x4000  }
0x78: {  	[sflag:s5] =	ssyncset.done $0x0  }
0x79: {  	s11 =	simm.s32 $0x380;
	[sflag:s5] =	ssyncadd.s32 $0xFFFFC000  }
0x7a: {  	[tilespmem:s23], [sflag:$0x4] =	stream.indirect.gather [hbm4b:s0+s17], $0x80, s11, s17, $0xb8;
	[tilespmem:$0x1D480] =	vst v63  }
0x7b: {  	_ =	swait.ge [sflag:s31], $0x4000  }
0x7c: {  	[sflag:s31] =	ssyncset.done $0x0  }
0x7d: {  	[sflag:s31] =	ssyncadd.s32 $0xFFFFC000  }
0x7e: {  	[hbm4b:s13+s3] =	stream.linear.scatter [tilespmem:s19], [sflag:$0xA], $0x4000, $0x38;
	[tilespmem:$0x1D480] =	vst v63  }
0x7f: {  	_ =	swait.ge [sflag:s29], $0x4000  }
0x80: {  	s8 =	simm.s32 $0x800;
	[sflag:s29] =	ssyncset.done $0x0  }
0x81: {  	s9 =	sadd.s32 $0x2000, s13;
	s10 =	simm.s32 $0x6700;
	[sflag:s29] =	ssyncadd.s32 $0xFFFFC000  }
.LBB2_4:
0x82: {  	[tilespmem:s21], [sflag:$0x7] =	stream.indirect.gather.add.f32 [spmem:s2], $0x80, s10, s17, $0xb8;
	[tilespmem:$0x1D480] =	vst v63  }
0x83: {  	s10 =	smov.u32 s8  }
0x84: {  	p1 =	sne.s32 s8, $0x18000;
	s8 =	sadd.s32 $0x800, s8;
	_ =	swait.ge [sflag:s1], $0x4000  }
0x85: {  	s10 =	sshra.s32 s10, $0x2;
	[sflag:s1] =	ssyncset.done $0x0  }
0x86: {  	s11 =	sadd.s32 $0x200, s10;
	[sflag:s1] =	ssyncadd.s32 $0xFFFFC000  }
0x87: {  	[tilespmem:s18], [sflag:$0x1] =	stream.indirect.gather [hbm4b:s0+s17], $0x80, s11, s17, $0xb8;
	[tilespmem:$0x1D480] =	vst v63  }
0x88: {  	_ =	swait.ge [sflag:s20], $0x4000  }
0x89: {  	[sflag:s20] =	ssyncset.done $0x0  }
0x8a: {  	s11 =	sadd.s32 $0xFFFFE800, s9;
	[sflag:s20] =	ssyncadd.s32 $0xFFFFC000  }
0x8b: {  	[hbm4b:s11+s3] =	stream.linear.scatter [tilespmem:s21], [sflag:$0xB], $0x4000, $0x38;
	[tilespmem:$0x1D480] =	vst v63  }
0x8c: {  	_ =	swait.ge [sflag:s22], $0x4000  }
0x8d: {  	[sflag:s22] =	ssyncset.done $0x0  }
0x8e: {  	s11 =	sadd.s32 $0x6580, s10;
	[sflag:s22] =	ssyncadd.s32 $0xFFFFC000  }
0x8f: {  	[tilespmem:s23], [sflag:$0x8] =	stream.indirect.gather.add.f32 [spmem:s2], $0x80, s11, s17, $0xb8;
	[tilespmem:$0x1D480] =	vst v63  }
0x90: {  	_ =	swait.ge [sflag:s26], $0x4000  }
0x91: {  	[sflag:s26] =	ssyncset.done $0x0  }
0x92: {  	s11 =	sadd.s32 $0x280, s10;
	[sflag:s26] =	ssyncadd.s32 $0xFFFFC000  }
0x93: {  	[tilespmem:s19], [sflag:$0x2] =	stream.indirect.gather [hbm4b:s0+s17], $0x80, s11, s17, $0xb8;
	[tilespmem:$0x1D480] =	vst v63  }
0x94: {  	_ =	swait.ge [sflag:s30], $0x4000  }
0x95: {  	[sflag:s30] =	ssyncset.done $0x0  }
0x96: {  	s11 =	sadd.s32 $0xFFFFF000, s9;
	[sflag:s30] =	ssyncadd.s32 $0xFFFFC000  }
0x97: {  	[hbm4b:s11+s3] =	stream.linear.scatter [tilespmem:s23], [sflag:$0xC], $0x4000, $0x38;
	[tilespmem:$0x1D480] =	vst v63  }
0x98: {  	_ =	swait.ge [sflag:s24], $0x4000  }
0x99: {  	[sflag:s24] =	ssyncset.done $0x0  }
0x9a: {  	s11 =	sadd.s32 $0x6600, s10;
	[sflag:s24] =	ssyncadd.s32 $0xFFFFC000  }
0x9b: {  	[tilespmem:s18], [sflag:$0x5] =	stream.indirect.gather.add.f32 [spmem:s2], $0x80, s11, s17, $0xb8;
	[tilespmem:$0x1D480] =	vst v63  }
0x9c: {  	_ =	swait.ge [sflag:s4], $0x4000  }
0x9d: {  	[sflag:s4] =	ssyncset.done $0x0  }
0x9e: {  	s11 =	sadd.s32 $0x300, s10;
	[sflag:s4] =	ssyncadd.s32 $0xFFFFC000  }
0x9f: {  	[tilespmem:s21], [sflag:$0x3] =	stream.indirect.gather [hbm4b:s0+s17], $0x80, s11, s17, $0xb8;
	[tilespmem:$0x1D480] =	vst v63  }
0xa0: {  	_ =	swait.ge [sflag:s28], $0x4000  }
0xa1: {  	[sflag:s28] =	ssyncset.done $0x0  }
0xa2: {  	s11 =	sadd.s32 $0xFFFFF800, s9;
	[sflag:s28] =	ssyncadd.s32 $0xFFFFC000  }
0xa3: {  	[hbm4b:s11+s3] =	stream.linear.scatter [tilespmem:s18], [sflag:$0x9], $0x4000, $0x38;
	[tilespmem:$0x1D480] =	vst v63  }
0xa4: {  	_ =	swait.ge [sflag:s25], $0x4000  }
0xa5: {  	[sflag:s25] =	ssyncset.done $0x0  }
0xa6: {  	s11 =	sadd.s32 $0x6680, s10;
	[sflag:s25] =	ssyncadd.s32 $0xFFFFC000  }
0xa7: {  	[tilespmem:s19], [sflag:$0x6] =	stream.indirect.gather.add.f32 [spmem:s2], $0x80, s11, s17, $0xb8;
	[tilespmem:$0x1D480] =	vst v63  }
0xa8: {  	_ =	swait.ge [sflag:s5], $0x4000  }
0xa9: {  	[sflag:s5] =	ssyncset.done $0x0  }
0xaa: {  	s11 =	sadd.s32 $0x380, s10;
	[sflag:s5] =	ssyncadd.s32 $0xFFFFC000  }
0xab: {  	[tilespmem:s23], [sflag:$0x4] =	stream.indirect.gather [hbm4b:s0+s17], $0x80, s11, s17, $0xb8;
	[tilespmem:$0x1D480] =	vst v63  }
0xac: {  	_ =	swait.ge [sflag:s31], $0x4000  }
0xad: {  	[sflag:s31] =	ssyncset.done $0x0  }
.Ltmp1:
0xae: {  	[sflag:s31] =	ssyncadd.s32 $0xFFFFC000;
	(pc) =	sbr.rel @p1 .LBB2_4-.Ltmp1, $4  }
0xaf: {  	[hbm4b:s9+s3] =	stream.linear.scatter [tilespmem:s19], [sflag:$0xA], $0x4000, $0x38;
	[tilespmem:$0x1D480] =	vst v63  }
0xb0: {  	_ =	swait.ge [sflag:s29], $0x4000  }
0xb1: {  	[sflag:s29] =	ssyncset.done $0x0  }
0xb2: {  	s10 =	sadd.s32 $0x6700, s10;
	s9 =	sadd.s32 $0x2000, s9;
	[sflag:s29] =	ssyncadd.s32 $0xFFFFC000  }
0xb3: {  	[tilespmem:s21], [sflag:$0x7] =	stream.indirect.gather.add.f32 [spmem:s2], $0x80, s10, s17, $0xb8;
	[tilespmem:$0x1D480] =	vst v63  }
0xb4: {  	_ =	swait.ge [sflag:s22], $0x4000  }
0xb5: {  	[sflag:s22] =	ssyncset.done $0x0  }
0xb6: {  	s8 =	simm.s32 $0xC780;
	[sflag:s22] =	ssyncadd.s32 $0xFFFFC000  }
0xb7: {  	[tilespmem:s23], [sflag:$0x8] =	stream.indirect.gather.add.f32 [spmem:s2], $0x80, s8, s17, $0xb8;
	[tilespmem:$0x1D480] =	vst v63  }
0xb8: {  	_ =	swait.ge [sflag:s20], $0x4000  }
0xb9: {  	[sflag:s20] =	ssyncset.done $0x0  }
0xba: {  	s9 =	rddreg [dreg:$0x9];
	[sflag:s20] =	ssyncadd.s32 $0xFFFFC000  }
0xbb: {  	[hbm4b:s9+s3] =	stream.linear.scatter [tilespmem:s21], [sflag:$0xB], $0x4000, $0x38;
	[tilespmem:$0x1D480] =	vst v63  }
0xbc: {  	_ =	swait.ge [sflag:s30], $0x4000  }
0xbd: {  	[sflag:s30] =	ssyncset.done $0x0  }
0xbe: {  	s10 =	rddreg [dreg:$0xa];
	[sflag:s30] =	ssyncadd.s32 $0xFFFFC000  }
0xbf: {  	[hbm4b:s10+s3] =	stream.linear.scatter [tilespmem:s23], [sflag:$0xC], $0x4000, $0x38;
	[tilespmem:$0x1D480] =	vst v63  }
0xc0: {  	_ =	swait.ge [sflag:s1], $0x4000  }
0xc1: {  	[sflag:s1] =	ssyncset.done $0x0  }
0xc2: {  	[sflag:s1] =	ssyncadd.s32 $0xFFFFC000  }
0xc3: {  	_ =	swait.ge [sflag:s26], $0x4000  }
0xc4: {  	[sflag:s26] =	ssyncset.done $0x0  }
0xc5: {  	[sflag:s26] =	ssyncadd.s32 $0xFFFFC000  }
0xc6: {  	_ =	swait.ge [sflag:s4], $0x4000  }
0xc7: {  	[sflag:s4] =	ssyncset.done $0x0  }
0xc8: {  	[sflag:s4] =	ssyncadd.s32 $0xFFFFC000  }
0xc9: {  	_ =	swait.ge [sflag:s5], $0x4000  }
0xca: {  	s6 =	sadd.s32 $0x1, s6;
	s11 =	rddreg [dreg:$0xb]  }
0xcb: {  	p1 =	sne.s32 s6, s11  }
.Ltmp2:
0xcc: {  	_ = 	snop;
	(pc) =	sbr.rel @p1 .LBB2_1-.Ltmp2, $3  }
0xcd: {  	_ =	sdelay $0x1  }
0xce: {  	[sflag:s5] =	ssyncset.done $0x0  }
0xcf: {  	[sflag:s5] =	ssyncadd.s32 $0xFFFFC000  }
0xd0: {  	_ =	sfence.sel $0x180000  }
0xd1: {  	[bflag:$0x0] =	sbarrier.arrive $0xFFFF  }
0xd2: {  	_ =	strace $0x90000047  }
0xd3: {  	[bflag:$0x2] =	sbarrier.arrive $0xFFFF  }
0xd4: {  	s0 =	rddreg [dreg:$0x4]  }
0xd5: {  	s0 =	sadd.s32 @!p0 $0x100000, s0  }
0xd6: {  	[sflag:s0] =	ssyncadd.tile.s32 @!p0 $0x1;
	_ =	shalt  }
.Lfunc_end2:
_tile_overlayer_lowered:
.L_overlay_start_2:
0xd7: {  	(tag) =	ssettag $0x2  }
0xd8: {  	s0 =	rddreg [dreg:$0x0];
	s2 =	stileid.u32  }
0xd9: {  	s1 =	rddreg [dreg:$0x1];
	p0 =	sne.s32 s2, $0x0  }
0xda: {  	s3 =	rddreg [dreg:$0x2];
	[bflag:$0x3] =	sbarrier.arrive $0xFFFF;
	s2 =	simm.s32 @!p0 $0x1C0D  }
0xdb: {  	[timem:s3], [sflag:s2] =	dma.local @!p0 [hbm:s0], s1  }
0xdc: {  	s0 =	simm.s32 @!p0 $0xD  }
0xdd: {  	_ =	swait.ge @!p0 [sflag:s0], s1  }
0xde: {  	s1 =	ssub.s32 @!p0 $0x0, s1;
	[sflag:s0] =	ssyncset.done @!p0 $0x0  }
0xdf: {  	[sflag:s0] =	ssyncadd.s32 @!p0 s1  }
0xe0: {  	[bflag:$0x3] =	sbarrier.arrive $0xFFFF  }
0xe1: {  	_ =	shalt  }

</sc_bundles>
